<compile_context>
chip_gen: v7x
topology: tpu7x:2x2x1
jax: 0.10.2.dev20260603
libtpu: 0.0.44.dev20260713+nightly
codegen_flags: <defaults>
</compile_context>

<pallas_src>
import jax
import jax.numpy as jnp
from jax import lax
from jax.experimental import pallas as pl
from jax.experimental.pallas import tpu as pltpu
from jax.experimental.pallas import tpu_sc as plsc

DIM = 128
SEQ = 50
SEQ_PAD = 56
NC = 2
NS = 16
NW = NC * NS
BATCH = 4096
BPW = BATCH // NW
NBUF = 8
NGROUP = BPW // NBUF


def _body(x_hbm, tbl_hbm, out_hbm, idx_v, rows_v, gsem, osem):
    wid = lax.axis_index("s") * NC + lax.axis_index("c")
    pltpu.sync_copy(x_hbm.at[pl.ds(wid * BPW, BPW)], idx_v)

    def start_gather(b, buf):
        pltpu.async_copy(
            tbl_hbm.at[idx_v.at[b, pl.ds(0, SEQ)]],
            rows_v.at[buf, pl.ds(0, SEQ)], gsem.at[buf])

    def wait_gather(buf):
        pltpu.make_async_copy(
            tbl_hbm.at[idx_v.at[0, pl.ds(0, SEQ)]],
            rows_v.at[buf, pl.ds(0, SEQ)], gsem.at[buf]).wait()

    def start_out(b, buf):
        pltpu.async_copy(
            rows_v.at[buf, pl.ds(0, SEQ)], out_hbm.at[wid * BPW + b],
            osem.at[buf])

    def wait_out(buf):
        pltpu.make_async_copy(
            rows_v.at[buf, pl.ds(0, SEQ)], out_hbm.at[0], osem.at[buf]).wait()

    for buf in range(NBUF):
        start_gather(buf, buf)

    def group(g, carry):
        for buf in range(NBUF):
            wait_gather(buf)
            start_out(g * NBUF + buf, buf)
        for buf in range(NBUF):
            wait_out(buf)

            @pl.when(g + 1 < NGROUP)
            def _():
                start_gather((g + 1) * NBUF + buf, buf)

        return carry

    lax.fori_loop(0, NGROUP, group, 0)


@jax.jit
def _run(x, emb_weight):
    mesh = plsc.VectorSubcoreMesh(core_axis_name="c", subcore_axis_name="s")
    k = pl.kernel(
        _body,
        out_type=jax.ShapeDtypeStruct((BATCH, SEQ, DIM), jnp.float32),
        mesh=mesh,
        scratch_types=[
            pltpu.VMEM((BPW, SEQ), jnp.int32),
            pltpu.VMEM((NBUF, SEQ_PAD, DIM), jnp.float32),
            pltpu.SemaphoreType.DMA((NBUF,)),
            pltpu.SemaphoreType.DMA((NBUF,)),
        ],
    )
    return k(x, emb_weight)


def kernel(x, emb_weight):
    return _run(x.astype(jnp.int32), emb_weight)

# --- scband reference (transcript-rebuilt; emitter-appended) ---
"""Pipeline reference for scband-embedder-73014444032262 (READ-ONLY COPY).

The authoritative reference and input builder live on the scoring server;
editing this copy changes nothing except your own understanding.
"""

import jax, jax.numpy as jnp
import numpy as np

VOCAB_SZ = 100000
DIM = 128

def setup_inputs(seed: int = 0) -> dict:
    key = jax.random.key(seed)
    k1, k2 = jax.random.split(key)
    x = jax.random.randint(k1, (4096, 50), 0, VOCAB_SZ, dtype=jnp.int64 if jax.config.read('jax_enable_x64') else jnp.int32)
    emb_weight = jax.random.normal(k2, (VOCAB_SZ, DIM), dtype=jnp.float32)
    return {"x": x, "emb_weight": emb_weight}

def reference(x, emb_weight):
    # Faithful translation of nn.Embedding forward: row gather from table.
    return jnp.take(emb_weight, x, axis=0)

if __name__ == "__main__":
    import jax
    _d = setup_inputs()
    print(jax.jit(kernel)(*tuple(_d.values())))

</pallas_src>

<mosaic_0001>
#map = affine_map<(d0, d1) -> (0, 0)>
#map1 = affine_map<(d0, d1) -> (0, 0, 0)>
module attributes {stable_mosaic.version = 14 : i64} {
  func.func @_body(%arg0: i32, %arg1: i32, %arg2: memref<4096x50xi32, #tpu.memory_space<hbm>>, %arg3: memref<100000x128xf32, #tpu.memory_space<hbm>>, %arg4: memref<4096x50x128xf32, #tpu.memory_space<hbm>>, %arg5: memref<128x50xi32, #tpu.memory_space<vmem>>, %arg6: memref<8x56x128xf32, #tpu.memory_space<vmem>>, %arg7: memref<8x!tpu.dma_semaphore, #tpu.memory_space<semaphore_mem>>, %arg8: memref<8x!tpu.dma_semaphore, #tpu.memory_space<semaphore_mem>>) attributes {dimension_semantics = [#tpu.dimension_semantics<core_parallel>, #tpu.dimension_semantics<subcore_parallel>], iteration_bounds = array<i64: 2, 16>, scalar_prefetch = 0 : i64, scratch_operands = 4 : i64, tpu.core_type = #tpu.core_type<sc_vector_subcore>, window_params = [{transform_indices = #map}, {transform_indices = #map}, {transform_indices = #map1}]} {
    %mul3A = arith.constant 2 : i32
    %mul3A_0 = arith.muli %arg1, %mul3A : i32
    %add3A = arith.addi %mul3A_0, %arg0 : i32
    %mul3A_1 = arith.constant 128 : i32
    %mul3A_2 = arith.muli %add3A, %mul3A_1 : i32
    "tpu.region"() ({
      %run_scoped3A = tpu.sem_alloc : memref<!tpu.dma_semaphore, #tpu.memory_space<semaphore_mem>>
      %dma_start3A_127 = arith.constant 0 : i32
      %dma_start3A_128 = tpu.memref_slice %arg2[%mul3A_2, %dma_start3A_127] : memref<4096x50xi32, #tpu.memory_space<hbm>> -> memref<128x50xi32, #tpu.memory_space<hbm>>
      %dma_start3A_129 = arith.constant 0 : i32
      %dma_start3A_130 = tpu.memref_slice %arg2[%mul3A_2, %dma_start3A_129] : memref<4096x50xi32, #tpu.memory_space<hbm>> -> memref<128x50xi32, #tpu.memory_space<hbm>>
      tpu.enqueue_dma source(%dma_start3A_130 : memref<128x50xi32, #tpu.memory_space<hbm>>) target(%arg5 : memref<128x50xi32, #tpu.memory_space<vmem>>) target_semaphore(%run_scoped3A : memref<!tpu.dma_semaphore, #tpu.memory_space<semaphore_mem>>)
      %dma_wait3A = arith.constant 0 : i32
      %dma_wait3A_131 = tpu.memref_slice %arg2[%mul3A_2, %dma_wait3A] : memref<4096x50xi32, #tpu.memory_space<hbm>> -> memref<128x50xi32, #tpu.memory_space<hbm>>
      %dma_wait3A_132 = arith.constant 0 : i32
      %dma_wait3A_133 = tpu.memref_slice %arg2[%mul3A_2, %dma_wait3A_132] : memref<4096x50xi32, #tpu.memory_space<hbm>> -> memref<128x50xi32, #tpu.memory_space<hbm>>
      tpu.wait_dma2 semaphore(%run_scoped3A : memref<!tpu.dma_semaphore, #tpu.memory_space<semaphore_mem>>) src(%dma_wait3A_133 : memref<128x50xi32, #tpu.memory_space<hbm>>) dst(%arg5 : memref<128x50xi32, #tpu.memory_space<vmem>>)
      tpu.yield
    }) : () -> ()
    %dma_start3A = arith.constant 0 : i32
    %dma_start3A_3 = arith.constant 0 : i32
    %dma_start3A_4 = arith.constant 0 : i32
    %dma_start3A_5 = arith.constant 0 : i32
    %dma_start3A_6 = arith.constant 0 : i32
    %dma_start3A_7 = tpu.memref_slice %arg6[%dma_start3A_3, %dma_start3A_5, %dma_start3A_6] : memref<8x56x128xf32, #tpu.memory_space<vmem>> -> memref<1x50x128xf32, #tpu.memory_space<vmem>>
    %dma_start3A_8 = tpu.memref_squeeze %dma_start3A_7 : memref<1x50x128xf32, #tpu.memory_space<vmem>> -> memref<50x128xf32, #tpu.memory_space<vmem>>
    %dma_start3A_9 = arith.constant 0 : i32
    %dma_start3A_10 = tpu.memref_slice %arg5[%dma_start3A, %dma_start3A_9] : memref<128x50xi32, #tpu.memory_space<vmem>> -> memref<1x50xi32, #tpu.memory_space<vmem>>
    %dma_start3A_11 = tpu.memref_squeeze %dma_start3A_10 : memref<1x50xi32, #tpu.memory_space<vmem>> -> memref<50xi32, #tpu.memory_space<vmem>>
    %dma_start3A_12 = arith.constant 0 : i32
    %dma_start3A_13 = arith.constant 0 : i32
    %dma_start3A_14 = tpu.memref_slice %arg3[%dma_start3A_12, %dma_start3A_13] : memref<100000x128xf32, #tpu.memory_space<hbm>> -> memref<100000x128xf32, #tpu.memory_space<hbm>>
    %dma_start3A_15 = tpu.memref_slice %arg7[%dma_start3A_4] : memref<8x!tpu.dma_semaphore, #tpu.memory_space<semaphore_mem>> -> memref<1x!tpu.dma_semaphore, #tpu.memory_space<semaphore_mem>>
    %dma_start3A_16 = tpu.memref_squeeze %dma_start3A_15 : memref<1x!tpu.dma_semaphore, #tpu.memory_space<semaphore_mem>> -> memref<!tpu.dma_semaphore, #tpu.memory_space<semaphore_mem>>
    tpu.enqueue_indirect_dma source(%dma_start3A_14 : memref<100000x128xf32, #tpu.memory_space<hbm>>) target(%dma_start3A_8 : memref<50x128xf32, #tpu.memory_space<vmem>>) offsets(%dma_start3A_11 : memref<50xi32, #tpu.memory_space<vmem>>) semaphore(%dma_start3A_16 : memref<!tpu.dma_semaphore, #tpu.memory_space<semaphore_mem>>)
    %dma_start3A_17 = arith.constant 1 : i32
    %dma_start3A_18 = arith.constant 1 : i32
    %dma_start3A_19 = arith.constant 1 : i32
    %dma_start3A_20 = arith.constant 0 : i32
    %dma_start3A_21 = arith.constant 0 : i32
    %dma_start3A_22 = tpu.memref_slice %arg6[%dma_start3A_18, %dma_start3A_20, %dma_start3A_21] : memref<8x56x128xf32, #tpu.memory_space<vmem>> -> memref<1x50x128xf32, #tpu.memory_space<vmem>>
    %dma_start3A_23 = tpu.memref_squeeze %dma_start3A_22 : memref<1x50x128xf32, #tpu.memory_space<vmem>> -> memref<50x128xf32, #tpu.memory_space<vmem>>
    %dma_start3A_24 = arith.constant 0 : i32
    %dma_start3A_25 = tpu.memref_slice %arg5[%dma_start3A_17, %dma_start3A_24] : memref<128x50xi32, #tpu.memory_space<vmem>> -> memref<1x50xi32, #tpu.memory_space<vmem>>
    %dma_start3A_26 = tpu.memref_squeeze %dma_start3A_25 : memref<1x50xi32, #tpu.memory_space<vmem>> -> memref<50xi32, #tpu.memory_space<vmem>>
    %dma_start3A_27 = arith.constant 0 : i32
    %dma_start3A_28 = arith.constant 0 : i32
    %dma_start3A_29 = tpu.memref_slice %arg3[%dma_start3A_27, %dma_start3A_28] : memref<100000x128xf32, #tpu.memory_space<hbm>> -> memref<100000x128xf32, #tpu.memory_space<hbm>>
    %dma_start3A_30 = tpu.memref_slice %arg7[%dma_start3A_19] : memref<8x!tpu.dma_semaphore, #tpu.memory_space<semaphore_mem>> -> memref<1x!tpu.dma_semaphore, #tpu.memory_space<semaphore_mem>>
    %dma_start3A_31 = tpu.memref_squeeze %dma_start3A_30 : memref<1x!tpu.dma_semaphore, #tpu.memory_space<semaphore_mem>> -> memref<!tpu.dma_semaphore, #tpu.memory_space<semaphore_mem>>
    tpu.enqueue_indirect_dma source(%dma_start3A_29 : memref<100000x128xf32, #tpu.memory_space<hbm>>) target(%dma_start3A_23 : memref<50x128xf32, #tpu.memory_space<vmem>>) offsets(%dma_start3A_26 : memref<50xi32, #tpu.memory_space<vmem>>) semaphore(%dma_start3A_31 : memref<!tpu.dma_semaphore, #tpu.memory_space<semaphore_mem>>)
    %dma_start3A_32 = arith.constant 2 : i32
    %dma_start3A_33 = arith.constant 2 : i32
    %dma_start3A_34 = arith.constant 2 : i32
    %dma_start3A_35 = arith.constant 0 : i32
    %dma_start3A_36 = arith.constant 0 : i32
    %dma_start3A_37 = tpu.memref_slice %arg6[%dma_start3A_33, %dma_start3A_35, %dma_start3A_36] : memref<8x56x128xf32, #tpu.memory_space<vmem>> -> memref<1x50x128xf32, #tpu.memory_space<vmem>>
    %dma_start3A_38 = tpu.memref_squeeze %dma_start3A_37 : memref<1x50x128xf32, #tpu.memory_space<vmem>> -> memref<50x128xf32, #tpu.memory_space<vmem>>
    %dma_start3A_39 = arith.constant 0 : i32
    %dma_start3A_40 = tpu.memref_slice %arg5[%dma_start3A_32, %dma_start3A_39] : memref<128x50xi32, #tpu.memory_space<vmem>> -> memref<1x50xi32, #tpu.memory_space<vmem>>
    %dma_start3A_41 = tpu.memref_squeeze %dma_start3A_40 : memref<1x50xi32, #tpu.memory_space<vmem>> -> memref<50xi32, #tpu.memory_space<vmem>>
    %dma_start3A_42 = arith.constant 0 : i32
    %dma_start3A_43 = arith.constant 0 : i32
    %dma_start3A_44 = tpu.memref_slice %arg3[%dma_start3A_42, %dma_start3A_43] : memref<100000x128xf32, #tpu.memory_space<hbm>> -> memref<100000x128xf32, #tpu.memory_space<hbm>>
    %dma_start3A_45 = tpu.memref_slice %arg7[%dma_start3A_34] : memref<8x!tpu.dma_semaphore, #tpu.memory_space<semaphore_mem>> -> memref<1x!tpu.dma_semaphore, #tpu.memory_space<semaphore_mem>>
    %dma_start3A_46 = tpu.memref_squeeze %dma_start3A_45 : memref<1x!tpu.dma_semaphore, #tpu.memory_space<semaphore_mem>> -> memref<!tpu.dma_semaphore, #tpu.memory_space<semaphore_mem>>
    tpu.enqueue_indirect_dma source(%dma_start3A_44 : memref<100000x128xf32, #tpu.memory_space<hbm>>) target(%dma_start3A_38 : memref<50x128xf32, #tpu.memory_space<vmem>>) offsets(%dma_start3A_41 : memref<50xi32, #tpu.memory_space<vmem>>) semaphore(%dma_start3A_46 : memref<!tpu.dma_semaphore, #tpu.memory_space<semaphore_mem>>)
    %dma_start3A_47 = arith.constant 3 : i32
    %dma_start3A_48 = arith.constant 3 : i32
    %dma_start3A_49 = arith.constant 3 : i32
    %dma_start3A_50 = arith.constant 0 : i32
    %dma_start3A_51 = arith.constant 0 : i32
    %dma_start3A_52 = tpu.memref_slice %arg6[%dma_start3A_48, %dma_start3A_50, %dma_start3A_51] : memref<8x56x128xf32, #tpu.memory_space<vmem>> -> memref<1x50x128xf32, #tpu.memory_space<vmem>>
    %dma_start3A_53 = tpu.memref_squeeze %dma_start3A_52 : memref<1x50x128xf32, #tpu.memory_space<vmem>> -> memref<50x128xf32, #tpu.memory_space<vmem>>
    %dma_start3A_54 = arith.constant 0 : i32
    %dma_start3A_55 = tpu.memref_slice %arg5[%dma_start3A_47, %dma_start3A_54] : memref<128x50xi32, #tpu.memory_space<vmem>> -> memref<1x50xi32, #tpu.memory_space<vmem>>
    %dma_start3A_56 = tpu.memref_squeeze %dma_start3A_55 : memref<1x50xi32, #tpu.memory_space<vmem>> -> memref<50xi32, #tpu.memory_space<vmem>>
    %dma_start3A_57 = arith.constant 0 : i32
    %dma_start3A_58 = arith.constant 0 : i32
    %dma_start3A_59 = tpu.memref_slice %arg3[%dma_start3A_57, %dma_start3A_58] : memref<100000x128xf32, #tpu.memory_space<hbm>> -> memref<100000x128xf32, #tpu.memory_space<hbm>>
    %dma_start3A_60 = tpu.memref_slice %arg7[%dma_start3A_49] : memref<8x!tpu.dma_semaphore, #tpu.memory_space<semaphore_mem>> -> memref<1x!tpu.dma_semaphore, #tpu.memory_space<semaphore_mem>>
    %dma_start3A_61 = tpu.memref_squeeze %dma_start3A_60 : memref<1x!tpu.dma_semaphore, #tpu.memory_space<semaphore_mem>> -> memref<!tpu.dma_semaphore, #tpu.memory_space<semaphore_mem>>
    tpu.enqueue_indirect_dma source(%dma_start3A_59 : memref<100000x128xf32, #tpu.memory_space<hbm>>) target(%dma_start3A_53 : memref<50x128xf32, #tpu.memory_space<vmem>>) offsets(%dma_start3A_56 : memref<50xi32, #tpu.memory_space<vmem>>) semaphore(%dma_start3A_61 : memref<!tpu.dma_semaphore, #tpu.memory_space<semaphore_mem>>)
    %dma_start3A_62 = arith.constant 4 : i32
    %dma_start3A_63 = arith.constant 4 : i32
    %dma_start3A_64 = arith.constant 4 : i32
    %dma_start3A_65 = arith.constant 0 : i32
    %dma_start3A_66 = arith.constant 0 : i32
    %dma_start3A_67 = tpu.memref_slice %arg6[%dma_start3A_63, %dma_start3A_65, %dma_start3A_66] : memref<8x56x128xf32, #tpu.memory_space<vmem>> -> memref<1x50x128xf32, #tpu.memory_space<vmem>>
    %dma_start3A_68 = tpu.memref_squeeze %dma_start3A_67 : memref<1x50x128xf32, #tpu.memory_space<vmem>> -> memref<50x128xf32, #tpu.memory_space<vmem>>
    %dma_start3A_69 = arith.constant 0 : i32
    %dma_start3A_70 = tpu.memref_slice %arg5[%dma_start3A_62, %dma_start3A_69] : memref<128x50xi32, #tpu.memory_space<vmem>> -> memref<1x50xi32, #tpu.memory_space<vmem>>
    %dma_start3A_71 = tpu.memref_squeeze %dma_start3A_70 : memref<1x50xi32, #tpu.memory_space<vmem>> -> memref<50xi32, #tpu.memory_space<vmem>>
    %dma_start3A_72 = arith.constant 0 : i32
    %dma_start3A_73 = arith.constant 0 : i32
    %dma_start3A_74 = tpu.memref_slice %arg3[%dma_start3A_72, %dma_start3A_73] : memref<100000x128xf32, #tpu.memory_space<hbm>> -> memref<100000x128xf32, #tpu.memory_space<hbm>>
    %dma_start3A_75 = tpu.memref_slice %arg7[%dma_start3A_64] : memref<8x!tpu.dma_semaphore, #tpu.memory_space<semaphore_mem>> -> memref<1x!tpu.dma_semaphore, #tpu.memory_space<semaphore_mem>>
    %dma_start3A_76 = tpu.memref_squeeze %dma_start3A_75 : memref<1x!tpu.dma_semaphore, #tpu.memory_space<semaphore_mem>> -> memref<!tpu.dma_semaphore, #tpu.memory_space<semaphore_mem>>
    tpu.enqueue_indirect_dma source(%dma_start3A_74 : memref<100000x128xf32, #tpu.memory_space<hbm>>) target(%dma_start3A_68 : memref<50x128xf32, #tpu.memory_space<vmem>>) offsets(%dma_start3A_71 : memref<50xi32, #tpu.memory_space<vmem>>) semaphore(%dma_start3A_76 : memref<!tpu.dma_semaphore, #tpu.memory_space<semaphore_mem>>)
    %dma_start3A_77 = arith.constant 5 : i32
    %dma_start3A_78 = arith.constant 5 : i32
    %dma_start3A_79 = arith.constant 5 : i32
    %dma_start3A_80 = arith.constant 0 : i32
    %dma_start3A_81 = arith.constant 0 : i32
    %dma_start3A_82 = tpu.memref_slice %arg6[%dma_start3A_78, %dma_start3A_80, %dma_start3A_81] : memref<8x56x128xf32, #tpu.memory_space<vmem>> -> memref<1x50x128xf32, #tpu.memory_space<vmem>>
    %dma_start3A_83 = tpu.memref_squeeze %dma_start3A_82 : memref<1x50x128xf32, #tpu.memory_space<vmem>> -> memref<50x128xf32, #tpu.memory_space<vmem>>
    %dma_start3A_84 = arith.constant 0 : i32
    %dma_start3A_85 = tpu.memref_slice %arg5[%dma_start3A_77, %dma_start3A_84] : memref<128x50xi32, #tpu.memory_space<vmem>> -> memref<1x50xi32, #tpu.memory_space<vmem>>
    %dma_start3A_86 = tpu.memref_squeeze %dma_start3A_85 : memref<1x50xi32, #tpu.memory_space<vmem>> -> memref<50xi32, #tpu.memory_space<vmem>>
    %dma_start3A_87 = arith.constant 0 : i32
    %dma_start3A_88 = arith.constant 0 : i32
    %dma_start3A_89 = tpu.memref_slice %arg3[%dma_start3A_87, %dma_start3A_88] : memref<100000x128xf32, #tpu.memory_space<hbm>> -> memref<100000x128xf32, #tpu.memory_space<hbm>>
    %dma_start3A_90 = tpu.memref_slice %arg7[%dma_start3A_79] : memref<8x!tpu.dma_semaphore, #tpu.memory_space<semaphore_mem>> -> memref<1x!tpu.dma_semaphore, #tpu.memory_space<semaphore_mem>>
    %dma_start3A_91 = tpu.memref_squeeze %dma_start3A_90 : memref<1x!tpu.dma_semaphore, #tpu.memory_space<semaphore_mem>> -> memref<!tpu.dma_semaphore, #tpu.memory_space<semaphore_mem>>
    tpu.enqueue_indirect_dma source(%dma_start3A_89 : memref<100000x128xf32, #tpu.memory_space<hbm>>) target(%dma_start3A_83 : memref<50x128xf32, #tpu.memory_space<vmem>>) offsets(%dma_start3A_86 : memref<50xi32, #tpu.memory_space<vmem>>) semaphore(%dma_start3A_91 : memref<!tpu.dma_semaphore, #tpu.memory_space<semaphore_mem>>)
    %dma_start3A_92 = arith.constant 6 : i32
    %dma_start3A_93 = arith.constant 6 : i32
    %dma_start3A_94 = arith.constant 6 : i32
    %dma_start3A_95 = arith.constant 0 : i32
    %dma_start3A_96 = arith.constant 0 : i32
    %dma_start3A_97 = tpu.memref_slice %arg6[%dma_start3A_93, %dma_start3A_95, %dma_start3A_96] : memref<8x56x128xf32, #tpu.memory_space<vmem>> -> memref<1x50x128xf32, #tpu.memory_space<vmem>>
    %dma_start3A_98 = tpu.memref_squeeze %dma_start3A_97 : memref<1x50x128xf32, #tpu.memory_space<vmem>> -> memref<50x128xf32, #tpu.memory_space<vmem>>
    %dma_start3A_99 = arith.constant 0 : i32
    %dma_start3A_100 = tpu.memref_slice %arg5[%dma_start3A_92, %dma_start3A_99] : memref<128x50xi32, #tpu.memory_space<vmem>> -> memref<1x50xi32, #tpu.memory_space<vmem>>
    %dma_start3A_101 = tpu.memref_squeeze %dma_start3A_100 : memref<1x50xi32, #tpu.memory_space<vmem>> -> memref<50xi32, #tpu.memory_space<vmem>>
    %dma_start3A_102 = arith.constant 0 : i32
    %dma_start3A_103 = arith.constant 0 : i32
    %dma_start3A_104 = tpu.memref_slice %arg3[%dma_start3A_102, %dma_start3A_103] : memref<100000x128xf32, #tpu.memory_space<hbm>> -> memref<100000x128xf32, #tpu.memory_space<hbm>>
    %dma_start3A_105 = tpu.memref_slice %arg7[%dma_start3A_94] : memref<8x!tpu.dma_semaphore, #tpu.memory_space<semaphore_mem>> -> memref<1x!tpu.dma_semaphore, #tpu.memory_space<semaphore_mem>>
    %dma_start3A_106 = tpu.memref_squeeze %dma_start3A_105 : memref<1x!tpu.dma_semaphore, #tpu.memory_space<semaphore_mem>> -> memref<!tpu.dma_semaphore, #tpu.memory_space<semaphore_mem>>
    tpu.enqueue_indirect_dma source(%dma_start3A_104 : memref<100000x128xf32, #tpu.memory_space<hbm>>) target(%dma_start3A_98 : memref<50x128xf32, #tpu.memory_space<vmem>>) offsets(%dma_start3A_101 : memref<50xi32, #tpu.memory_space<vmem>>) semaphore(%dma_start3A_106 : memref<!tpu.dma_semaphore, #tpu.memory_space<semaphore_mem>>)
    %dma_start3A_107 = arith.constant 7 : i32
    %dma_start3A_108 = arith.constant 7 : i32
    %dma_start3A_109 = arith.constant 7 : i32
    %dma_start3A_110 = arith.constant 0 : i32
    %dma_start3A_111 = arith.constant 0 : i32
    %dma_start3A_112 = tpu.memref_slice %arg6[%dma_start3A_108, %dma_start3A_110, %dma_start3A_111] : memref<8x56x128xf32, #tpu.memory_space<vmem>> -> memref<1x50x128xf32, #tpu.memory_space<vmem>>
    %dma_start3A_113 = tpu.memref_squeeze %dma_start3A_112 : memref<1x50x128xf32, #tpu.memory_space<vmem>> -> memref<50x128xf32, #tpu.memory_space<vmem>>
    %dma_start3A_114 = arith.constant 0 : i32
    %dma_start3A_115 = tpu.memref_slice %arg5[%dma_start3A_107, %dma_start3A_114] : memref<128x50xi32, #tpu.memory_space<vmem>> -> memref<1x50xi32, #tpu.memory_space<vmem>>
    %dma_start3A_116 = tpu.memref_squeeze %dma_start3A_115 : memref<1x50xi32, #tpu.memory_space<vmem>> -> memref<50xi32, #tpu.memory_space<vmem>>
    %dma_start3A_117 = arith.constant 0 : i32
    %dma_start3A_118 = arith.constant 0 : i32
    %dma_start3A_119 = tpu.memref_slice %arg3[%dma_start3A_117, %dma_start3A_118] : memref<100000x128xf32, #tpu.memory_space<hbm>> -> memref<100000x128xf32, #tpu.memory_space<hbm>>
    %dma_start3A_120 = tpu.memref_slice %arg7[%dma_start3A_109] : memref<8x!tpu.dma_semaphore, #tpu.memory_space<semaphore_mem>> -> memref<1x!tpu.dma_semaphore, #tpu.memory_space<semaphore_mem>>
    %dma_start3A_121 = tpu.memref_squeeze %dma_start3A_120 : memref<1x!tpu.dma_semaphore, #tpu.memory_space<semaphore_mem>> -> memref<!tpu.dma_semaphore, #tpu.memory_space<semaphore_mem>>
    tpu.enqueue_indirect_dma source(%dma_start3A_119 : memref<100000x128xf32, #tpu.memory_space<hbm>>) target(%dma_start3A_113 : memref<50x128xf32, #tpu.memory_space<vmem>>) offsets(%dma_start3A_116 : memref<50xi32, #tpu.memory_space<vmem>>) semaphore(%dma_start3A_121 : memref<!tpu.dma_semaphore, #tpu.memory_space<semaphore_mem>>)
    %scan3A = arith.constant 0 : i32
    %scan3A_122 = arith.constant 0 : i32
    %scan3A_123 = arith.constant 16 : i32
    %scan3A_124 = arith.addi %scan3A_122, %scan3A_123 : i32
    %scan3A_125 = arith.constant 1 : i32
    scf.for %scan3A_127 = %scan3A_122 to %scan3A_124 step %scan3A_125  : i32 {
      %dma_wait3A = arith.constant 0 : i32
      %dma_wait3A_128 = arith.constant 0 : i32
      %dma_wait3A_129 = arith.constant 0 : i32
      %dma_wait3A_130 = arith.constant 0 : i32
      %dma_wait3A_131 = arith.constant 0 : i32
      %dma_wait3A_132 = tpu.memref_slice %arg6[%dma_wait3A_128, %dma_wait3A_130, %dma_wait3A_131] : memref<8x56x128xf32, #tpu.memory_space<vmem>> -> memref<1x50x128xf32, #tpu.memory_space<vmem>>
      %dma_wait3A_133 = tpu.memref_squeeze %dma_wait3A_132 : memref<1x50x128xf32, #tpu.memory_space<vmem>> -> memref<50x128xf32, #tpu.memory_space<vmem>>
      %dma_wait3A_134 = arith.constant 0 : i32
      %dma_wait3A_135 = tpu.memref_slice %arg5[%dma_wait3A, %dma_wait3A_134] : memref<128x50xi32, #tpu.memory_space<vmem>> -> memref<1x50xi32, #tpu.memory_space<vmem>>
      %dma_wait3A_136 = tpu.memref_squeeze %dma_wait3A_135 : memref<1x50xi32, #tpu.memory_space<vmem>> -> memref<50xi32, #tpu.memory_space<vmem>>
      %dma_wait3A_137 = arith.constant 0 : i32
      %dma_wait3A_138 = arith.constant 0 : i32
      %dma_wait3A_139 = tpu.memref_slice %arg3[%dma_wait3A_137, %dma_wait3A_138] : memref<100000x128xf32, #tpu.memory_space<hbm>> -> memref<100000x128xf32, #tpu.memory_space<hbm>>
      %dma_wait3A_140 = tpu.memref_slice %arg7[%dma_wait3A_129] : memref<8x!tpu.dma_semaphore, #tpu.memory_space<semaphore_mem>> -> memref<1x!tpu.dma_semaphore, #tpu.memory_space<semaphore_mem>>
      %dma_wait3A_141 = tpu.memref_squeeze %dma_wait3A_140 : memref<1x!tpu.dma_semaphore, #tpu.memory_space<semaphore_mem>> -> memref<!tpu.dma_semaphore, #tpu.memory_space<semaphore_mem>>
      tpu.wait_indirect_dma semaphore(%dma_wait3A_141 : memref<!tpu.dma_semaphore, #tpu.memory_space<semaphore_mem>>) src(%dma_wait3A_139 : memref<100000x128xf32, #tpu.memory_space<hbm>>) dst(%dma_wait3A_133 : memref<50x128xf32, #tpu.memory_space<vmem>>)
      %mul3A_142 = arith.constant 8 : i32
      %mul3A_143 = arith.muli %scan3A_127, %mul3A_142 : i32
      %add3A_144 = arith.constant 0 : i32
      %add3A_145 = arith.addi %mul3A_143, %add3A_144 : i32
      %mul3A_146 = arith.constant 128 : i32
      %mul3A_147 = arith.muli %add3A, %mul3A_146 : i32
      %add3A_148 = arith.addi %mul3A_147, %add3A_145 : i32
      %dma_start3A_149 = arith.constant 0 : i32
      %dma_start3A_150 = arith.constant 0 : i32
      %dma_start3A_151 = arith.constant 0 : i32
      %dma_start3A_152 = arith.constant 0 : i32
      %dma_start3A_153 = tpu.memref_slice %arg6[%dma_start3A_149, %dma_start3A_151, %dma_start3A_152] : memref<8x56x128xf32, #tpu.memory_space<vmem>> -> memref<1x50x128xf32, #tpu.memory_space<vmem>>
      %dma_start3A_154 = tpu.memref_squeeze %dma_start3A_153 : memref<1x50x128xf32, #tpu.memory_space<vmem>> -> memref<50x128xf32, #tpu.memory_space<vmem>>
      %dma_start3A_155 = arith.constant 0 : i32
      %dma_start3A_156 = arith.constant 0 : i32
      %dma_start3A_157 = tpu.memref_slice %arg4[%add3A_148, %dma_start3A_155, %dma_start3A_156] : memref<4096x50x128xf32, #tpu.memory_space<hbm>> -> memref<1x50x128xf32, #tpu.memory_space<hbm>>
      %dma_start3A_158 = tpu.memref_squeeze %dma_start3A_157 : memref<1x50x128xf32, #tpu.memory_space<hbm>> -> memref<50x128xf32, #tpu.memory_space<hbm>>
      %dma_start3A_159 = tpu.memref_slice %arg8[%dma_start3A_150] : memref<8x!tpu.dma_semaphore, #tpu.memory_space<semaphore_mem>> -> memref<1x!tpu.dma_semaphore, #tpu.memory_space<semaphore_mem>>
      %dma_start3A_160 = tpu.memref_squeeze %dma_start3A_159 : memref<1x!tpu.dma_semaphore, #tpu.memory_space<semaphore_mem>> -> memref<!tpu.dma_semaphore, #tpu.memory_space<semaphore_mem>>
      %dma_start3A_161 = arith.constant 0 : i32
      %dma_start3A_162 = arith.constant 0 : i32
      %dma_start3A_163 = tpu.memref_slice %arg4[%add3A_148, %dma_start3A_161, %dma_start3A_162] : memref<4096x50x128xf32, #tpu.memory_space<hbm>> -> memref<1x50x128xf32, #tpu.memory_space<hbm>>
      %dma_start3A_164 = tpu.memref_squeeze %dma_start3A_163 : memref<1x50x128xf32, #tpu.memory_space<hbm>> -> memref<50x128xf32, #tpu.memory_space<hbm>>
      %dma_start3A_165 = arith.constant 0 : i32
      %dma_start3A_166 = arith.constant 0 : i32
      %dma_start3A_167 = tpu.memref_slice %arg6[%dma_start3A_149, %dma_start3A_165, %dma_start3A_166] : memref<8x56x128xf32, #tpu.memory_space<vmem>> -> memref<1x50x128xf32, #tpu.memory_space<vmem>>
      %dma_start3A_168 = tpu.memref_squeeze %dma_start3A_167 : memref<1x50x128xf32, #tpu.memory_space<vmem>> -> memref<50x128xf32, #tpu.memory_space<vmem>>
      tpu.enqueue_dma source(%dma_start3A_168 : memref<50x128xf32, #tpu.memory_space<vmem>>) target(%dma_start3A_164 : memref<50x128xf32, #tpu.memory_space<hbm>>) target_semaphore(%dma_start3A_160 : memref<!tpu.dma_semaphore, #tpu.memory_space<semaphore_mem>>)
      %dma_wait3A_169 = arith.constant 0 : i32
      %dma_wait3A_170 = arith.constant 1 : i32
      %dma_wait3A_171 = arith.constant 1 : i32
      %dma_wait3A_172 = arith.constant 0 : i32
      %dma_wait3A_173 = arith.constant 0 : i32
      %dma_wait3A_174 = tpu.memref_slice %arg6[%dma_wait3A_170, %dma_wait3A_172, %dma_wait3A_173] : memref<8x56x128xf32, #tpu.memory_space<vmem>> -> memref<1x50x128xf32, #tpu.memory_space<vmem>>
      %dma_wait3A_175 = tpu.memref_squeeze %dma_wait3A_174 : memref<1x50x128xf32, #tpu.memory_space<vmem>> -> memref<50x128xf32, #tpu.memory_space<vmem>>
      %dma_wait3A_176 = arith.constant 0 : i32
      %dma_wait3A_177 = tpu.memref_slice %arg5[%dma_wait3A_169, %dma_wait3A_176] : memref<128x50xi32, #tpu.memory_space<vmem>> -> memref<1x50xi32, #tpu.memory_space<vmem>>
      %dma_wait3A_178 = tpu.memref_squeeze %dma_wait3A_177 : memref<1x50xi32, #tpu.memory_space<vmem>> -> memref<50xi32, #tpu.memory_space<vmem>>
      %dma_wait3A_179 = arith.constant 0 : i32
      %dma_wait3A_180 = arith.constant 0 : i32
      %dma_wait3A_181 = tpu.memref_slice %arg3[%dma_wait3A_179, %dma_wait3A_180] : memref<100000x128xf32, #tpu.memory_space<hbm>> -> memref<100000x128xf32, #tpu.memory_space<hbm>>
      %dma_wait3A_182 = tpu.memref_slice %arg7[%dma_wait3A_171] : memref<8x!tpu.dma_semaphore, #tpu.memory_space<semaphore_mem>> -> memref<1x!tpu.dma_semaphore, #tpu.memory_space<semaphore_mem>>
      %dma_wait3A_183 = tpu.memref_squeeze %dma_wait3A_182 : memref<1x!tpu.dma_semaphore, #tpu.memory_space<semaphore_mem>> -> memref<!tpu.dma_semaphore, #tpu.memory_space<semaphore_mem>>
      tpu.wait_indirect_dma semaphore(%dma_wait3A_183 : memref<!tpu.dma_semaphore, #tpu.memory_space<semaphore_mem>>) src(%dma_wait3A_181 : memref<100000x128xf32, #tpu.memory_space<hbm>>) dst(%dma_wait3A_175 : memref<50x128xf32, #tpu.memory_space<vmem>>)
      %mul3A_184 = arith.constant 8 : i32
      %mul3A_185 = arith.muli %scan3A_127, %mul3A_184 : i32
      %add3A_186 = arith.constant 1 : i32
      %add3A_187 = arith.addi %mul3A_185, %add3A_186 : i32
      %mul3A_188 = arith.constant 128 : i32
      %mul3A_189 = arith.muli %add3A, %mul3A_188 : i32
      %add3A_190 = arith.addi %mul3A_189, %add3A_187 : i32
      %dma_start3A_191 = arith.constant 1 : i32
      %dma_start3A_192 = arith.constant 1 : i32
      %dma_start3A_193 = arith.constant 0 : i32
      %dma_start3A_194 = arith.constant 0 : i32
      %dma_start3A_195 = tpu.memref_slice %arg6[%dma_start3A_191, %dma_start3A_193, %dma_start3A_194] : memref<8x56x128xf32, #tpu.memory_space<vmem>> -> memref<1x50x128xf32, #tpu.memory_space<vmem>>
      %dma_start3A_196 = tpu.memref_squeeze %dma_start3A_195 : memref<1x50x128xf32, #tpu.memory_space<vmem>> -> memref<50x128xf32, #tpu.memory_space<vmem>>
      %dma_start3A_197 = arith.constant 0 : i32
      %dma_start3A_198 = arith.constant 0 : i32
      %dma_start3A_199 = tpu.memref_slice %arg4[%add3A_190, %dma_start3A_197, %dma_start3A_198] : memref<4096x50x128xf32, #tpu.memory_space<hbm>> -> memref<1x50x128xf32, #tpu.memory_space<hbm>>
      %dma_start3A_200 = tpu.memref_squeeze %dma_start3A_199 : memref<1x50x128xf32, #tpu.memory_space<hbm>> -> memref<50x128xf32, #tpu.memory_space<hbm>>
      %dma_start3A_201 = tpu.memref_slice %arg8[%dma_start3A_192] : memref<8x!tpu.dma_semaphore, #tpu.memory_space<semaphore_mem>> -> memref<1x!tpu.dma_semaphore, #tpu.memory_space<semaphore_mem>>
      %dma_start3A_202 = tpu.memref_squeeze %dma_start3A_201 : memref<1x!tpu.dma_semaphore, #tpu.memory_space<semaphore_mem>> -> memref<!tpu.dma_semaphore, #tpu.memory_space<semaphore_mem>>
      %dma_start3A_203 = arith.constant 0 : i32
      %dma_start3A_204 = arith.constant 0 : i32
      %dma_start3A_205 = tpu.memref_slice %arg4[%add3A_190, %dma_start3A_203, %dma_start3A_204] : memref<4096x50x128xf32, #tpu.memory_space<hbm>> -> memref<1x50x128xf32, #tpu.memory_space<hbm>>
      %dma_start3A_206 = tpu.memref_squeeze %dma_start3A_205 : memref<1x50x128xf32, #tpu.memory_space<hbm>> -> memref<50x128xf32, #tpu.memory_space<hbm>>
      %dma_start3A_207 = arith.constant 0 : i32
      %dma_start3A_208 = arith.constant 0 : i32
      %dma_start3A_209 = tpu.memref_slice %arg6[%dma_start3A_191, %dma_start3A_207, %dma_start3A_208] : memref<8x56x128xf32, #tpu.memory_space<vmem>> -> memref<1x50x128xf32, #tpu.memory_space<vmem>>
      %dma_start3A_210 = tpu.memref_squeeze %dma_start3A_209 : memref<1x50x128xf32, #tpu.memory_space<vmem>> -> memref<50x128xf32, #tpu.memory_space<vmem>>
      tpu.enqueue_dma source(%dma_start3A_210 : memref<50x128xf32, #tpu.memory_space<vmem>>) target(%dma_start3A_206 : memref<50x128xf32, #tpu.memory_space<hbm>>) target_semaphore(%dma_start3A_202 : memref<!tpu.dma_semaphore, #tpu.memory_space<semaphore_mem>>)
      %dma_wait3A_211 = arith.constant 0 : i32
      %dma_wait3A_212 = arith.constant 2 : i32
      %dma_wait3A_213 = arith.constant 2 : i32
      %dma_wait3A_214 = arith.constant 0 : i32
      %dma_wait3A_215 = arith.constant 0 : i32
      %dma_wait3A_216 = tpu.memref_slice %arg6[%dma_wait3A_212, %dma_wait3A_214, %dma_wait3A_215] : memref<8x56x128xf32, #tpu.memory_space<vmem>> -> memref<1x50x128xf32, #tpu.memory_space<vmem>>
      %dma_wait3A_217 = tpu.memref_squeeze %dma_wait3A_216 : memref<1x50x128xf32, #tpu.memory_space<vmem>> -> memref<50x128xf32, #tpu.memory_space<vmem>>
      %dma_wait3A_218 = arith.constant 0 : i32
      %dma_wait3A_219 = tpu.memref_slice %arg5[%dma_wait3A_211, %dma_wait3A_218] : memref<128x50xi32, #tpu.memory_space<vmem>> -> memref<1x50xi32, #tpu.memory_space<vmem>>
      %dma_wait3A_220 = tpu.memref_squeeze %dma_wait3A_219 : memref<1x50xi32, #tpu.memory_space<vmem>> -> memref<50xi32, #tpu.memory_space<vmem>>
      %dma_wait3A_221 = arith.constant 0 : i32
      %dma_wait3A_222 = arith.constant 0 : i32
      %dma_wait3A_223 = tpu.memref_slice %arg3[%dma_wait3A_221, %dma_wait3A_222] : memref<100000x128xf32, #tpu.memory_space<hbm>> -> memref<100000x128xf32, #tpu.memory_space<hbm>>
      %dma_wait3A_224 = tpu.memref_slice %arg7[%dma_wait3A_213] : memref<8x!tpu.dma_semaphore, #tpu.memory_space<semaphore_mem>> -> memref<1x!tpu.dma_semaphore, #tpu.memory_space<semaphore_mem>>
      %dma_wait3A_225 = tpu.memref_squeeze %dma_wait3A_224 : memref<1x!tpu.dma_semaphore, #tpu.memory_space<semaphore_mem>> -> memref<!tpu.dma_semaphore, #tpu.memory_space<semaphore_mem>>
      tpu.wait_indirect_dma semaphore(%dma_wait3A_225 : memref<!tpu.dma_semaphore, #tpu.memory_space<semaphore_mem>>) src(%dma_wait3A_223 : memref<100000x128xf32, #tpu.memory_space<hbm>>) dst(%dma_wait3A_217 : memref<50x128xf32, #tpu.memory_space<vmem>>)
      %mul3A_226 = arith.constant 8 : i32
      %mul3A_227 = arith.muli %scan3A_127, %mul3A_226 : i32
      %add3A_228 = arith.constant 2 : i32
      %add3A_229 = arith.addi %mul3A_227, %add3A_228 : i32
      %mul3A_230 = arith.constant 128 : i32
      %mul3A_231 = arith.muli %add3A, %mul3A_230 : i32
      %add3A_232 = arith.addi %mul3A_231, %add3A_229 : i32
      %dma_start3A_233 = arith.constant 2 : i32
      %dma_start3A_234 = arith.constant 2 : i32
      %dma_start3A_235 = arith.constant 0 : i32
      %dma_start3A_236 = arith.constant 0 : i32
      %dma_start3A_237 = tpu.memref_slice %arg6[%dma_start3A_233, %dma_start3A_235, %dma_start3A_236] : memref<8x56x128xf32, #tpu.memory_space<vmem>> -> memref<1x50x128xf32, #tpu.memory_space<vmem>>
      %dma_start3A_238 = tpu.memref_squeeze %dma_start3A_237 : memref<1x50x128xf32, #tpu.memory_space<vmem>> -> memref<50x128xf32, #tpu.memory_space<vmem>>
      %dma_start3A_239 = arith.constant 0 : i32
      %dma_start3A_240 = arith.constant 0 : i32
      %dma_start3A_241 = tpu.memref_slice %arg4[%add3A_232, %dma_start3A_239, %dma_start3A_240] : memref<4096x50x128xf32, #tpu.memory_space<hbm>> -> memref<1x50x128xf32, #tpu.memory_space<hbm>>
      %dma_start3A_242 = tpu.memref_squeeze %dma_start3A_241 : memref<1x50x128xf32, #tpu.memory_space<hbm>> -> memref<50x128xf32, #tpu.memory_space<hbm>>
      %dma_start3A_243 = tpu.memref_slice %arg8[%dma_start3A_234] : memref<8x!tpu.dma_semaphore, #tpu.memory_space<semaphore_mem>> -> memref<1x!tpu.dma_semaphore, #tpu.memory_space<semaphore_mem>>
      %dma_start3A_244 = tpu.memref_squeeze %dma_start3A_243 : memref<1x!tpu.dma_semaphore, #tpu.memory_space<semaphore_mem>> -> memref<!tpu.dma_semaphore, #tpu.memory_space<semaphore_mem>>
      %dma_start3A_245 = arith.constant 0 : i32
      %dma_start3A_246 = arith.constant 0 : i32
      %dma_start3A_247 = tpu.memref_slice %arg4[%add3A_232, %dma_start3A_245, %dma_start3A_246] : memref<4096x50x128xf32, #tpu.memory_space<hbm>> -> memref<1x50x128xf32, #tpu.memory_space<hbm>>
      %dma_start3A_248 = tpu.memref_squeeze %dma_start3A_247 : memref<1x50x128xf32, #tpu.memory_space<hbm>> -> memref<50x128xf32, #tpu.memory_space<hbm>>
      %dma_start3A_249 = arith.constant 0 : i32
      %dma_start3A_250 = arith.constant 0 : i32
      %dma_start3A_251 = tpu.memref_slice %arg6[%dma_start3A_233, %dma_start3A_249, %dma_start3A_250] : memref<8x56x128xf32, #tpu.memory_space<vmem>> -> memref<1x50x128xf32, #tpu.memory_space<vmem>>
      %dma_start3A_252 = tpu.memref_squeeze %dma_start3A_251 : memref<1x50x128xf32, #tpu.memory_space<vmem>> -> memref<50x128xf32, #tpu.memory_space<vmem>>
      tpu.enqueue_dma source(%dma_start3A_252 : memref<50x128xf32, #tpu.memory_space<vmem>>) target(%dma_start3A_248 : memref<50x128xf32, #tpu.memory_space<hbm>>) target_semaphore(%dma_start3A_244 : memref<!tpu.dma_semaphore, #tpu.memory_space<semaphore_mem>>)
      %dma_wait3A_253 = arith.constant 0 : i32
      %dma_wait3A_254 = arith.constant 3 : i32
      %dma_wait3A_255 = arith.constant 3 : i32
      %dma_wait3A_256 = arith.constant 0 : i32
      %dma_wait3A_257 = arith.constant 0 : i32
      %dma_wait3A_258 = tpu.memref_slice %arg6[%dma_wait3A_254, %dma_wait3A_256, %dma_wait3A_257] : memref<8x56x128xf32, #tpu.memory_space<vmem>> -> memref<1x50x128xf32, #tpu.memory_space<vmem>>
      %dma_wait3A_259 = tpu.memref_squeeze %dma_wait3A_258 : memref<1x50x128xf32, #tpu.memory_space<vmem>> -> memref<50x128xf32, #tpu.memory_space<vmem>>
      %dma_wait3A_260 = arith.constant 0 : i32
      %dma_wait3A_261 = tpu.memref_slice %arg5[%dma_wait3A_253, %dma_wait3A_260] : memref<128x50xi32, #tpu.memory_space<vmem>> -> memref<1x50xi32, #tpu.memory_space<vmem>>
      %dma_wait3A_262 = tpu.memref_squeeze %dma_wait3A_261 : memref<1x50xi32, #tpu.memory_space<vmem>> -> memref<50xi32, #tpu.memory_space<vmem>>
      %dma_wait3A_263 = arith.constant 0 : i32
      %dma_wait3A_264 = arith.constant 0 : i32
      %dma_wait3A_265 = tpu.memref_slice %arg3[%dma_wait3A_263, %dma_wait3A_264] : memref<100000x128xf32, #tpu.memory_space<hbm>> -> memref<100000x128xf32, #tpu.memory_space<hbm>>
      %dma_wait3A_266 = tpu.memref_slice %arg7[%dma_wait3A_255] : memref<8x!tpu.dma_semaphore, #tpu.memory_space<semaphore_mem>> -> memref<1x!tpu.dma_semaphore, #tpu.memory_space<semaphore_mem>>
      %dma_wait3A_267 = tpu.memref_squeeze %dma_wait3A_266 : memref<1x!tpu.dma_semaphore, #tpu.memory_space<semaphore_mem>> -> memref<!tpu.dma_semaphore, #tpu.memory_space<semaphore_mem>>
      tpu.wait_indirect_dma semaphore(%dma_wait3A_267 : memref<!tpu.dma_semaphore, #tpu.memory_space<semaphore_mem>>) src(%dma_wait3A_265 : memref<100000x128xf32, #tpu.memory_space<hbm>>) dst(%dma_wait3A_259 : memref<50x128xf32, #tpu.memory_space<vmem>>)
      %mul3A_268 = arith.constant 8 : i32
      %mul3A_269 = arith.muli %scan3A_127, %mul3A_268 : i32
      %add3A_270 = arith.constant 3 : i32
      %add3A_271 = arith.addi %mul3A_269, %add3A_270 : i32
      %mul3A_272 = arith.constant 128 : i32
      %mul3A_273 = arith.muli %add3A, %mul3A_272 : i32
      %add3A_274 = arith.addi %mul3A_273, %add3A_271 : i32
      %dma_start3A_275 = arith.constant 3 : i32
      %dma_start3A_276 = arith.constant 3 : i32
      %dma_start3A_277 = arith.constant 0 : i32
      %dma_start3A_278 = arith.constant 0 : i32
      %dma_start3A_279 = tpu.memref_slice %arg6[%dma_start3A_275, %dma_start3A_277, %dma_start3A_278] : memref<8x56x128xf32, #tpu.memory_space<vmem>> -> memref<1x50x128xf32, #tpu.memory_space<vmem>>
      %dma_start3A_280 = tpu.memref_squeeze %dma_start3A_279 : memref<1x50x128xf32, #tpu.memory_space<vmem>> -> memref<50x128xf32, #tpu.memory_space<vmem>>
      %dma_start3A_281 = arith.constant 0 : i32
      %dma_start3A_282 = arith.constant 0 : i32
      %dma_start3A_283 = tpu.memref_slice %arg4[%add3A_274, %dma_start3A_281, %dma_start3A_282] : memref<4096x50x128xf32, #tpu.memory_space<hbm>> -> memref<1x50x128xf32, #tpu.memory_space<hbm>>
      %dma_start3A_284 = tpu.memref_squeeze %dma_start3A_283 : memref<1x50x128xf32, #tpu.memory_space<hbm>> -> memref<50x128xf32, #tpu.memory_space<hbm>>
      %dma_start3A_285 = tpu.memref_slice %arg8[%dma_start3A_276] : memref<8x!tpu.dma_semaphore, #tpu.memory_space<semaphore_mem>> -> memref<1x!tpu.dma_semaphore, #tpu.memory_space<semaphore_mem>>
      %dma_start3A_286 = tpu.memref_squeeze %dma_start3A_285 : memref<1x!tpu.dma_semaphore, #tpu.memory_space<semaphore_mem>> -> memref<!tpu.dma_semaphore, #tpu.memory_space<semaphore_mem>>
      %dma_start3A_287 = arith.constant 0 : i32
      %dma_start3A_288 = arith.constant 0 : i32
      %dma_start3A_289 = tpu.memref_slice %arg4[%add3A_274, %dma_start3A_287, %dma_start3A_288] : memref<4096x50x128xf32, #tpu.memory_space<hbm>> -> memref<1x50x128xf32, #tpu.memory_space<hbm>>
      %dma_start3A_290 = tpu.memref_squeeze %dma_start3A_289 : memref<1x50x128xf32, #tpu.memory_space<hbm>> -> memref<50x128xf32, #tpu.memory_space<hbm>>
      %dma_start3A_291 = arith.constant 0 : i32
      %dma_start3A_292 = arith.constant 0 : i32
      %dma_start3A_293 = tpu.memref_slice %arg6[%dma_start3A_275, %dma_start3A_291, %dma_start3A_292] : memref<8x56x128xf32, #tpu.memory_space<vmem>> -> memref<1x50x128xf32, #tpu.memory_space<vmem>>
      %dma_start3A_294 = tpu.memref_squeeze %dma_start3A_293 : memref<1x50x128xf32, #tpu.memory_space<vmem>> -> memref<50x128xf32, #tpu.memory_space<vmem>>
      tpu.enqueue_dma source(%dma_start3A_294 : memref<50x128xf32, #tpu.memory_space<vmem>>) target(%dma_start3A_290 : memref<50x128xf32, #tpu.memory_space<hbm>>) target_semaphore(%dma_start3A_286 : memref<!tpu.dma_semaphore, #tpu.memory_space<semaphore_mem>>)
      %dma_wait3A_295 = arith.constant 0 : i32
      %dma_wait3A_296 = arith.constant 4 : i32
      %dma_wait3A_297 = arith.constant 4 : i32
      %dma_wait3A_298 = arith.constant 0 : i32
      %dma_wait3A_299 = arith.constant 0 : i32
      %dma_wait3A_300 = tpu.memref_slice %arg6[%dma_wait3A_296, %dma_wait3A_298, %dma_wait3A_299] : memref<8x56x128xf32, #tpu.memory_space<vmem>> -> memref<1x50x128xf32, #tpu.memory_space<vmem>>
      %dma_wait3A_301 = tpu.memref_squeeze %dma_wait3A_300 : memref<1x50x128xf32, #tpu.memory_space<vmem>> -> memref<50x128xf32, #tpu.memory_space<vmem>>
      %dma_wait3A_302 = arith.constant 0 : i32
      %dma_wait3A_303 = tpu.memref_slice %arg5[%dma_wait3A_295, %dma_wait3A_302] : memref<128x50xi32, #tpu.memory_space<vmem>> -> memref<1x50xi32, #tpu.memory_space<vmem>>
      %dma_wait3A_304 = tpu.memref_squeeze %dma_wait3A_303 : memref<1x50xi32, #tpu.memory_space<vmem>> -> memref<50xi32, #tpu.memory_space<vmem>>
      %dma_wait3A_305 = arith.constant 0 : i32
      %dma_wait3A_306 = arith.constant 0 : i32
      %dma_wait3A_307 = tpu.memref_slice %arg3[%dma_wait3A_305, %dma_wait3A_306] : memref<100000x128xf32, #tpu.memory_space<hbm>> -> memref<100000x128xf32, #tpu.memory_space<hbm>>
      %dma_wait3A_308 = tpu.memref_slice %arg7[%dma_wait3A_297] : memref<8x!tpu.dma_semaphore, #tpu.memory_space<semaphore_mem>> -> memref<1x!tpu.dma_semaphore, #tpu.memory_space<semaphore_mem>>
      %dma_wait3A_309 = tpu.memref_squeeze %dma_wait3A_308 : memref<1x!tpu.dma_semaphore, #tpu.memory_space<semaphore_mem>> -> memref<!tpu.dma_semaphore, #tpu.memory_space<semaphore_mem>>
      tpu.wait_indirect_dma semaphore(%dma_wait3A_309 : memref<!tpu.dma_semaphore, #tpu.memory_space<semaphore_mem>>) src(%dma_wait3A_307 : memref<100000x128xf32, #tpu.memory_space<hbm>>) dst(%dma_wait3A_301 : memref<50x128xf32, #tpu.memory_space<vmem>>)
      %mul3A_310 = arith.constant 8 : i32
      %mul3A_311 = arith.muli %scan3A_127, %mul3A_310 : i32
      %add3A_312 = arith.constant 4 : i32
      %add3A_313 = arith.addi %mul3A_311, %add3A_312 : i32
      %mul3A_314 = arith.constant 128 : i32
      %mul3A_315 = arith.muli %add3A, %mul3A_314 : i32
      %add3A_316 = arith.addi %mul3A_315, %add3A_313 : i32
      %dma_start3A_317 = arith.constant 4 : i32
      %dma_start3A_318 = arith.constant 4 : i32
      %dma_start3A_319 = arith.constant 0 : i32
      %dma_start3A_320 = arith.constant 0 : i32
      %dma_start3A_321 = tpu.memref_slice %arg6[%dma_start3A_317, %dma_start3A_319, %dma_start3A_320] : memref<8x56x128xf32, #tpu.memory_space<vmem>> -> memref<1x50x128xf32, #tpu.memory_space<vmem>>
      %dma_start3A_322 = tpu.memref_squeeze %dma_start3A_321 : memref<1x50x128xf32, #tpu.memory_space<vmem>> -> memref<50x128xf32, #tpu.memory_space<vmem>>
      %dma_start3A_323 = arith.constant 0 : i32
      %dma_start3A_324 = arith.constant 0 : i32
      %dma_start3A_325 = tpu.memref_slice %arg4[%add3A_316, %dma_start3A_323, %dma_start3A_324] : memref<4096x50x128xf32, #tpu.memory_space<hbm>> -> memref<1x50x128xf32, #tpu.memory_space<hbm>>
      %dma_start3A_326 = tpu.memref_squeeze %dma_start3A_325 : memref<1x50x128xf32, #tpu.memory_space<hbm>> -> memref<50x128xf32, #tpu.memory_space<hbm>>
      %dma_start3A_327 = tpu.memref_slice %arg8[%dma_start3A_318] : memref<8x!tpu.dma_semaphore, #tpu.memory_space<semaphore_mem>> -> memref<1x!tpu.dma_semaphore, #tpu.memory_space<semaphore_mem>>
      %dma_start3A_328 = tpu.memref_squeeze %dma_start3A_327 : memref<1x!tpu.dma_semaphore, #tpu.memory_space<semaphore_mem>> -> memref<!tpu.dma_semaphore, #tpu.memory_space<semaphore_mem>>
      %dma_start3A_329 = arith.constant 0 : i32
      %dma_start3A_330 = arith.constant 0 : i32
      %dma_start3A_331 = tpu.memref_slice %arg4[%add3A_316, %dma_start3A_329, %dma_start3A_330] : memref<4096x50x128xf32, #tpu.memory_space<hbm>> -> memref<1x50x128xf32, #tpu.memory_space<hbm>>
      %dma_start3A_332 = tpu.memref_squeeze %dma_start3A_331 : memref<1x50x128xf32, #tpu.memory_space<hbm>> -> memref<50x128xf32, #tpu.memory_space<hbm>>
      %dma_start3A_333 = arith.constant 0 : i32
      %dma_start3A_334 = arith.constant 0 : i32
      %dma_start3A_335 = tpu.memref_slice %arg6[%dma_start3A_317, %dma_start3A_333, %dma_start3A_334] : memref<8x56x128xf32, #tpu.memory_space<vmem>> -> memref<1x50x128xf32, #tpu.memory_space<vmem>>
      %dma_start3A_336 = tpu.memref_squeeze %dma_start3A_335 : memref<1x50x128xf32, #tpu.memory_space<vmem>> -> memref<50x128xf32, #tpu.memory_space<vmem>>
      tpu.enqueue_dma source(%dma_start3A_336 : memref<50x128xf32, #tpu.memory_space<vmem>>) target(%dma_start3A_332 : memref<50x128xf32, #tpu.memory_space<hbm>>) target_semaphore(%dma_start3A_328 : memref<!tpu.dma_semaphore, #tpu.memory_space<semaphore_mem>>)
      %dma_wait3A_337 = arith.constant 0 : i32
      %dma_wait3A_338 = arith.constant 5 : i32
      %dma_wait3A_339 = arith.constant 5 : i32
      %dma_wait3A_340 = arith.constant 0 : i32
      %dma_wait3A_341 = arith.constant 0 : i32
      %dma_wait3A_342 = tpu.memref_slice %arg6[%dma_wait3A_338, %dma_wait3A_340, %dma_wait3A_341] : memref<8x56x128xf32, #tpu.memory_space<vmem>> -> memref<1x50x128xf32, #tpu.memory_space<vmem>>
      %dma_wait3A_343 = tpu.memref_squeeze %dma_wait3A_342 : memref<1x50x128xf32, #tpu.memory_space<vmem>> -> memref<50x128xf32, #tpu.memory_space<vmem>>
      %dma_wait3A_344 = arith.constant 0 : i32
      %dma_wait3A_345 = tpu.memref_slice %arg5[%dma_wait3A_337, %dma_wait3A_344] : memref<128x50xi32, #tpu.memory_space<vmem>> -> memref<1x50xi32, #tpu.memory_space<vmem>>
      %dma_wait3A_346 = tpu.memref_squeeze %dma_wait3A_345 : memref<1x50xi32, #tpu.memory_space<vmem>> -> memref<50xi32, #tpu.memory_space<vmem>>
      %dma_wait3A_347 = arith.constant 0 : i32
      %dma_wait3A_348 = arith.constant 0 : i32
      %dma_wait3A_349 = tpu.memref_slice %arg3[%dma_wait3A_347, %dma_wait3A_348] : memref<100000x128xf32, #tpu.memory_space<hbm>> -> memref<100000x128xf32, #tpu.memory_space<hbm>>
      %dma_wait3A_350 = tpu.memref_slice %arg7[%dma_wait3A_339] : memref<8x!tpu.dma_semaphore, #tpu.memory_space<semaphore_mem>> -> memref<1x!tpu.dma_semaphore, #tpu.memory_space<semaphore_mem>>
      %dma_wait3A_351 = tpu.memref_squeeze %dma_wait3A_350 : memref<1x!tpu.dma_semaphore, #tpu.memory_space<semaphore_mem>> -> memref<!tpu.dma_semaphore, #tpu.memory_space<semaphore_mem>>
      tpu.wait_indirect_dma semaphore(%dma_wait3A_351 : memref<!tpu.dma_semaphore, #tpu.memory_space<semaphore_mem>>) src(%dma_wait3A_349 : memref<100000x128xf32, #tpu.memory_space<hbm>>) dst(%dma_wait3A_343 : memref<50x128xf32, #tpu.memory_space<vmem>>)
      %mul3A_352 = arith.constant 8 : i32
      %mul3A_353 = arith.muli %scan3A_127, %mul3A_352 : i32
      %add3A_354 = arith.constant 5 : i32
      %add3A_355 = arith.addi %mul3A_353, %add3A_354 : i32
      %mul3A_356 = arith.constant 128 : i32
      %mul3A_357 = arith.muli %add3A, %mul3A_356 : i32
      %add3A_358 = arith.addi %mul3A_357, %add3A_355 : i32
      %dma_start3A_359 = arith.constant 5 : i32
      %dma_start3A_360 = arith.constant 5 : i32
      %dma_start3A_361 = arith.constant 0 : i32
      %dma_start3A_362 = arith.constant 0 : i32
      %dma_start3A_363 = tpu.memref_slice %arg6[%dma_start3A_359, %dma_start3A_361, %dma_start3A_362] : memref<8x56x128xf32, #tpu.memory_space<vmem>> -> memref<1x50x128xf32, #tpu.memory_space<vmem>>
      %dma_start3A_364 = tpu.memref_squeeze %dma_start3A_363 : memref<1x50x128xf32, #tpu.memory_space<vmem>> -> memref<50x128xf32, #tpu.memory_space<vmem>>
      %dma_start3A_365 = arith.constant 0 : i32
      %dma_start3A_366 = arith.constant 0 : i32
      %dma_start3A_367 = tpu.memref_slice %arg4[%add3A_358, %dma_start3A_365, %dma_start3A_366] : memref<4096x50x128xf32, #tpu.memory_space<hbm>> -> memref<1x50x128xf32, #tpu.memory_space<hbm>>
      %dma_start3A_368 = tpu.memref_squeeze %dma_start3A_367 : memref<1x50x128xf32, #tpu.memory_space<hbm>> -> memref<50x128xf32, #tpu.memory_space<hbm>>
      %dma_start3A_369 = tpu.memref_slice %arg8[%dma_start3A_360] : memref<8x!tpu.dma_semaphore, #tpu.memory_space<semaphore_mem>> -> memref<1x!tpu.dma_semaphore, #tpu.memory_space<semaphore_mem>>
      %dma_start3A_370 = tpu.memref_squeeze %dma_start3A_369 : memref<1x!tpu.dma_semaphore, #tpu.memory_space<semaphore_mem>> -> memref<!tpu.dma_semaphore, #tpu.memory_space<semaphore_mem>>
      %dma_start3A_371 = arith.constant 0 : i32
      %dma_start3A_372 = arith.constant 0 : i32
      %dma_start3A_373 = tpu.memref_slice %arg4[%add3A_358, %dma_start3A_371, %dma_start3A_372] : memref<4096x50x128xf32, #tpu.memory_space<hbm>> -> memref<1x50x128xf32, #tpu.memory_space<hbm>>
      %dma_start3A_374 = tpu.memref_squeeze %dma_start3A_373 : memref<1x50x128xf32, #tpu.memory_space<hbm>> -> memref<50x128xf32, #tpu.memory_space<hbm>>
      %dma_start3A_375 = arith.constant 0 : i32
      %dma_start3A_376 = arith.constant 0 : i32
      %dma_start3A_377 = tpu.memref_slice %arg6[%dma_start3A_359, %dma_start3A_375, %dma_start3A_376] : memref<8x56x128xf32, #tpu.memory_space<vmem>> -> memref<1x50x128xf32, #tpu.memory_space<vmem>>
      %dma_start3A_378 = tpu.memref_squeeze %dma_start3A_377 : memref<1x50x128xf32, #tpu.memory_space<vmem>> -> memref<50x128xf32, #tpu.memory_space<vmem>>
      tpu.enqueue_dma source(%dma_start3A_378 : memref<50x128xf32, #tpu.memory_space<vmem>>) target(%dma_start3A_374 : memref<50x128xf32, #tpu.memory_space<hbm>>) target_semaphore(%dma_start3A_370 : memref<!tpu.dma_semaphore, #tpu.memory_space<semaphore_mem>>)
      %dma_wait3A_379 = arith.constant 0 : i32
      %dma_wait3A_380 = arith.constant 6 : i32
      %dma_wait3A_381 = arith.constant 6 : i32
      %dma_wait3A_382 = arith.constant 0 : i32
      %dma_wait3A_383 = arith.constant 0 : i32
      %dma_wait3A_384 = tpu.memref_slice %arg6[%dma_wait3A_380, %dma_wait3A_382, %dma_wait3A_383] : memref<8x56x128xf32, #tpu.memory_space<vmem>> -> memref<1x50x128xf32, #tpu.memory_space<vmem>>
      %dma_wait3A_385 = tpu.memref_squeeze %dma_wait3A_384 : memref<1x50x128xf32, #tpu.memory_space<vmem>> -> memref<50x128xf32, #tpu.memory_space<vmem>>
      %dma_wait3A_386 = arith.constant 0 : i32
      %dma_wait3A_387 = tpu.memref_slice %arg5[%dma_wait3A_379, %dma_wait3A_386] : memref<128x50xi32, #tpu.memory_space<vmem>> -> memref<1x50xi32, #tpu.memory_space<vmem>>
      %dma_wait3A_388 = tpu.memref_squeeze %dma_wait3A_387 : memref<1x50xi32, #tpu.memory_space<vmem>> -> memref<50xi32, #tpu.memory_space<vmem>>
      %dma_wait3A_389 = arith.constant 0 : i32
      %dma_wait3A_390 = arith.constant 0 : i32
      %dma_wait3A_391 = tpu.memref_slice %arg3[%dma_wait3A_389, %dma_wait3A_390] : memref<100000x128xf32, #tpu.memory_space<hbm>> -> memref<100000x128xf32, #tpu.memory_space<hbm>>
      %dma_wait3A_392 = tpu.memref_slice %arg7[%dma_wait3A_381] : memref<8x!tpu.dma_semaphore, #tpu.memory_space<semaphore_mem>> -> memref<1x!tpu.dma_semaphore, #tpu.memory_space<semaphore_mem>>
      %dma_wait3A_393 = tpu.memref_squeeze %dma_wait3A_392 : memref<1x!tpu.dma_semaphore, #tpu.memory_space<semaphore_mem>> -> memref<!tpu.dma_semaphore, #tpu.memory_space<semaphore_mem>>
      tpu.wait_indirect_dma semaphore(%dma_wait3A_393 : memref<!tpu.dma_semaphore, #tpu.memory_space<semaphore_mem>>) src(%dma_wait3A_391 : memref<100000x128xf32, #tpu.memory_space<hbm>>) dst(%dma_wait3A_385 : memref<50x128xf32, #tpu.memory_space<vmem>>)
      %mul3A_394 = arith.constant 8 : i32
      %mul3A_395 = arith.muli %scan3A_127, %mul3A_394 : i32
      %add3A_396 = arith.constant 6 : i32
      %add3A_397 = arith.addi %mul3A_395, %add3A_396 : i32
      %mul3A_398 = arith.constant 128 : i32
      %mul3A_399 = arith.muli %add3A, %mul3A_398 : i32
      %add3A_400 = arith.addi %mul3A_399, %add3A_397 : i32
      %dma_start3A_401 = arith.constant 6 : i32
      %dma_start3A_402 = arith.constant 6 : i32
      %dma_start3A_403 = arith.constant 0 : i32
      %dma_start3A_404 = arith.constant 0 : i32
      %dma_start3A_405 = tpu.memref_slice %arg6[%dma_start3A_401, %dma_start3A_403, %dma_start3A_404] : memref<8x56x128xf32, #tpu.memory_space<vmem>> -> memref<1x50x128xf32, #tpu.memory_space<vmem>>
      %dma_start3A_406 = tpu.memref_squeeze %dma_start3A_405 : memref<1x50x128xf32, #tpu.memory_space<vmem>> -> memref<50x128xf32, #tpu.memory_space<vmem>>
      %dma_start3A_407 = arith.constant 0 : i32
      %dma_start3A_408 = arith.constant 0 : i32
      %dma_start3A_409 = tpu.memref_slice %arg4[%add3A_400, %dma_start3A_407, %dma_start3A_408] : memref<4096x50x128xf32, #tpu.memory_space<hbm>> -> memref<1x50x128xf32, #tpu.memory_space<hbm>>
      %dma_start3A_410 = tpu.memref_squeeze %dma_start3A_409 : memref<1x50x128xf32, #tpu.memory_space<hbm>> -> memref<50x128xf32, #tpu.memory_space<hbm>>
      %dma_start3A_411 = tpu.memref_slice %arg8[%dma_start3A_402] : memref<8x!tpu.dma_semaphore, #tpu.memory_space<semaphore_mem>> -> memref<1x!tpu.dma_semaphore, #tpu.memory_space<semaphore_mem>>
      %dma_start3A_412 = tpu.memref_squeeze %dma_start3A_411 : memref<1x!tpu.dma_semaphore, #tpu.memory_space<semaphore_mem>> -> memref<!tpu.dma_semaphore, #tpu.memory_space<semaphore_mem>>
      %dma_start3A_413 = arith.constant 0 : i32
      %dma_start3A_414 = arith.constant 0 : i32
      %dma_start3A_415 = tpu.memref_slice %arg4[%add3A_400, %dma_start3A_413, %dma_start3A_414] : memref<4096x50x128xf32, #tpu.memory_space<hbm>> -> memref<1x50x128xf32, #tpu.memory_space<hbm>>
      %dma_start3A_416 = tpu.memref_squeeze %dma_start3A_415 : memref<1x50x128xf32, #tpu.memory_space<hbm>> -> memref<50x128xf32, #tpu.memory_space<hbm>>
      %dma_start3A_417 = arith.constant 0 : i32
      %dma_start3A_418 = arith.constant 0 : i32
      %dma_start3A_419 = tpu.memref_slice %arg6[%dma_start3A_401, %dma_start3A_417, %dma_start3A_418] : memref<8x56x128xf32, #tpu.memory_space<vmem>> -> memref<1x50x128xf32, #tpu.memory_space<vmem>>
      %dma_start3A_420 = tpu.memref_squeeze %dma_start3A_419 : memref<1x50x128xf32, #tpu.memory_space<vmem>> -> memref<50x128xf32, #tpu.memory_space<vmem>>
      tpu.enqueue_dma source(%dma_start3A_420 : memref<50x128xf32, #tpu.memory_space<vmem>>) target(%dma_start3A_416 : memref<50x128xf32, #tpu.memory_space<hbm>>) target_semaphore(%dma_start3A_412 : memref<!tpu.dma_semaphore, #tpu.memory_space<semaphore_mem>>)
      %dma_wait3A_421 = arith.constant 0 : i32
      %dma_wait3A_422 = arith.constant 7 : i32
      %dma_wait3A_423 = arith.constant 7 : i32
      %dma_wait3A_424 = arith.constant 0 : i32
      %dma_wait3A_425 = arith.constant 0 : i32
      %dma_wait3A_426 = tpu.memref_slice %arg6[%dma_wait3A_422, %dma_wait3A_424, %dma_wait3A_425] : memref<8x56x128xf32, #tpu.memory_space<vmem>> -> memref<1x50x128xf32, #tpu.memory_space<vmem>>
      %dma_wait3A_427 = tpu.memref_squeeze %dma_wait3A_426 : memref<1x50x128xf32, #tpu.memory_space<vmem>> -> memref<50x128xf32, #tpu.memory_space<vmem>>
      %dma_wait3A_428 = arith.constant 0 : i32
      %dma_wait3A_429 = tpu.memref_slice %arg5[%dma_wait3A_421, %dma_wait3A_428] : memref<128x50xi32, #tpu.memory_space<vmem>> -> memref<1x50xi32, #tpu.memory_space<vmem>>
      %dma_wait3A_430 = tpu.memref_squeeze %dma_wait3A_429 : memref<1x50xi32, #tpu.memory_space<vmem>> -> memref<50xi32, #tpu.memory_space<vmem>>
      %dma_wait3A_431 = arith.constant 0 : i32
      %dma_wait3A_432 = arith.constant 0 : i32
      %dma_wait3A_433 = tpu.memref_slice %arg3[%dma_wait3A_431, %dma_wait3A_432] : memref<100000x128xf32, #tpu.memory_space<hbm>> -> memref<100000x128xf32, #tpu.memory_space<hbm>>
      %dma_wait3A_434 = tpu.memref_slice %arg7[%dma_wait3A_423] : memref<8x!tpu.dma_semaphore, #tpu.memory_space<semaphore_mem>> -> memref<1x!tpu.dma_semaphore, #tpu.memory_space<semaphore_mem>>
      %dma_wait3A_435 = tpu.memref_squeeze %dma_wait3A_434 : memref<1x!tpu.dma_semaphore, #tpu.memory_space<semaphore_mem>> -> memref<!tpu.dma_semaphore, #tpu.memory_space<semaphore_mem>>
      tpu.wait_indirect_dma semaphore(%dma_wait3A_435 : memref<!tpu.dma_semaphore, #tpu.memory_space<semaphore_mem>>) src(%dma_wait3A_433 : memref<100000x128xf32, #tpu.memory_space<hbm>>) dst(%dma_wait3A_427 : memref<50x128xf32, #tpu.memory_space<vmem>>)
      %mul3A_436 = arith.constant 8 : i32
      %mul3A_437 = arith.muli %scan3A_127, %mul3A_436 : i32
      %add3A_438 = arith.constant 7 : i32
      %add3A_439 = arith.addi %mul3A_437, %add3A_438 : i32
      %mul3A_440 = arith.constant 128 : i32
      %mul3A_441 = arith.muli %add3A, %mul3A_440 : i32
      %add3A_442 = arith.addi %mul3A_441, %add3A_439 : i32
      %dma_start3A_443 = arith.constant 7 : i32
      %dma_start3A_444 = arith.constant 7 : i32
      %dma_start3A_445 = arith.constant 0 : i32
      %dma_start3A_446 = arith.constant 0 : i32
      %dma_start3A_447 = tpu.memref_slice %arg6[%dma_start3A_443, %dma_start3A_445, %dma_start3A_446] : memref<8x56x128xf32, #tpu.memory_space<vmem>> -> memref<1x50x128xf32, #tpu.memory_space<vmem>>
      %dma_start3A_448 = tpu.memref_squeeze %dma_start3A_447 : memref<1x50x128xf32, #tpu.memory_space<vmem>> -> memref<50x128xf32, #tpu.memory_space<vmem>>
      %dma_start3A_449 = arith.constant 0 : i32
      %dma_start3A_450 = arith.constant 0 : i32
      %dma_start3A_451 = tpu.memref_slice %arg4[%add3A_442, %dma_start3A_449, %dma_start3A_450] : memref<4096x50x128xf32, #tpu.memory_space<hbm>> -> memref<1x50x128xf32, #tpu.memory_space<hbm>>
      %dma_start3A_452 = tpu.memref_squeeze %dma_start3A_451 : memref<1x50x128xf32, #tpu.memory_space<hbm>> -> memref<50x128xf32, #tpu.memory_space<hbm>>
      %dma_start3A_453 = tpu.memref_slice %arg8[%dma_start3A_444] : memref<8x!tpu.dma_semaphore, #tpu.memory_space<semaphore_mem>> -> memref<1x!tpu.dma_semaphore, #tpu.memory_space<semaphore_mem>>
      %dma_start3A_454 = tpu.memref_squeeze %dma_start3A_453 : memref<1x!tpu.dma_semaphore, #tpu.memory_space<semaphore_mem>> -> memref<!tpu.dma_semaphore, #tpu.memory_space<semaphore_mem>>
      %dma_start3A_455 = arith.constant 0 : i32
      %dma_start3A_456 = arith.constant 0 : i32
      %dma_start3A_457 = tpu.memref_slice %arg4[%add3A_442, %dma_start3A_455, %dma_start3A_456] : memref<4096x50x128xf32, #tpu.memory_space<hbm>> -> memref<1x50x128xf32, #tpu.memory_space<hbm>>
      %dma_start3A_458 = tpu.memref_squeeze %dma_start3A_457 : memref<1x50x128xf32, #tpu.memory_space<hbm>> -> memref<50x128xf32, #tpu.memory_space<hbm>>
      %dma_start3A_459 = arith.constant 0 : i32
      %dma_start3A_460 = arith.constant 0 : i32
      %dma_start3A_461 = tpu.memref_slice %arg6[%dma_start3A_443, %dma_start3A_459, %dma_start3A_460] : memref<8x56x128xf32, #tpu.memory_space<vmem>> -> memref<1x50x128xf32, #tpu.memory_space<vmem>>
      %dma_start3A_462 = tpu.memref_squeeze %dma_start3A_461 : memref<1x50x128xf32, #tpu.memory_space<vmem>> -> memref<50x128xf32, #tpu.memory_space<vmem>>
      tpu.enqueue_dma source(%dma_start3A_462 : memref<50x128xf32, #tpu.memory_space<vmem>>) target(%dma_start3A_458 : memref<50x128xf32, #tpu.memory_space<hbm>>) target_semaphore(%dma_start3A_454 : memref<!tpu.dma_semaphore, #tpu.memory_space<semaphore_mem>>)
      %dma_wait3A_463 = arith.constant 0 : i32
      %dma_wait3A_464 = arith.constant 0 : i32
      %dma_wait3A_465 = arith.constant 0 : i32
      %dma_wait3A_466 = arith.constant 0 : i32
      %dma_wait3A_467 = arith.constant 0 : i32
      %dma_wait3A_468 = tpu.memref_slice %arg6[%dma_wait3A_463, %dma_wait3A_466, %dma_wait3A_467] : memref<8x56x128xf32, #tpu.memory_space<vmem>> -> memref<1x50x128xf32, #tpu.memory_space<vmem>>
      %dma_wait3A_469 = tpu.memref_squeeze %dma_wait3A_468 : memref<1x50x128xf32, #tpu.memory_space<vmem>> -> memref<50x128xf32, #tpu.memory_space<vmem>>
      %dma_wait3A_470 = arith.constant 0 : i32
      %dma_wait3A_471 = arith.constant 0 : i32
      %dma_wait3A_472 = tpu.memref_slice %arg4[%dma_wait3A_464, %dma_wait3A_470, %dma_wait3A_471] : memref<4096x50x128xf32, #tpu.memory_space<hbm>> -> memref<1x50x128xf32, #tpu.memory_space<hbm>>
      %dma_wait3A_473 = tpu.memref_squeeze %dma_wait3A_472 : memref<1x50x128xf32, #tpu.memory_space<hbm>> -> memref<50x128xf32, #tpu.memory_space<hbm>>
      %dma_wait3A_474 = tpu.memref_slice %arg8[%dma_wait3A_465] : memref<8x!tpu.dma_semaphore, #tpu.memory_space<semaphore_mem>> -> memref<1x!tpu.dma_semaphore, #tpu.memory_space<semaphore_mem>>
      %dma_wait3A_475 = tpu.memref_squeeze %dma_wait3A_474 : memref<1x!tpu.dma_semaphore, #tpu.memory_space<semaphore_mem>> -> memref<!tpu.dma_semaphore, #tpu.memory_space<semaphore_mem>>
      %dma_wait3A_476 = arith.constant 0 : i32
      %dma_wait3A_477 = arith.constant 0 : i32
      %dma_wait3A_478 = tpu.memref_slice %arg4[%dma_wait3A_464, %dma_wait3A_476, %dma_wait3A_477] : memref<4096x50x128xf32, #tpu.memory_space<hbm>> -> memref<1x50x128xf32, #tpu.memory_space<hbm>>
      %dma_wait3A_479 = tpu.memref_squeeze %dma_wait3A_478 : memref<1x50x128xf32, #tpu.memory_space<hbm>> -> memref<50x128xf32, #tpu.memory_space<hbm>>
      %dma_wait3A_480 = arith.constant 0 : i32
      %dma_wait3A_481 = arith.constant 0 : i32
      %dma_wait3A_482 = tpu.memref_slice %arg6[%dma_wait3A_463, %dma_wait3A_480, %dma_wait3A_481] : memref<8x56x128xf32, #tpu.memory_space<vmem>> -> memref<1x50x128xf32, #tpu.memory_space<vmem>>
      %dma_wait3A_483 = tpu.memref_squeeze %dma_wait3A_482 : memref<1x50x128xf32, #tpu.memory_space<vmem>> -> memref<50x128xf32, #tpu.memory_space<vmem>>
      tpu.wait_dma2 semaphore(%dma_wait3A_475 : memref<!tpu.dma_semaphore, #tpu.memory_space<semaphore_mem>>) src(%dma_wait3A_483 : memref<50x128xf32, #tpu.memory_space<vmem>>) dst(%dma_wait3A_479 : memref<50x128xf32, #tpu.memory_space<hbm>>)
      %add3A_484 = arith.constant 1 : i32
      %add3A_485 = arith.addi %scan3A_127, %add3A_484 : i32
      %lt3A = arith.constant 16 : i32
      %lt3A_486 = arith.cmpi slt, %add3A_485, %lt3A : i32
      %convert_element_type3A = arith.extui %lt3A_486 : i1 to i32
      %cond3A = arith.constant 0 : i32
      %cond3A_487 = arith.cmpi ne, %convert_element_type3A, %cond3A : i32
      scf.if %cond3A_487 {
        %add3A_684 = arith.constant 1 : i32
        %add3A_685 = arith.addi %scan3A_127, %add3A_684 : i32
        %mul3A_686 = arith.constant 8 : i32
        %mul3A_687 = arith.muli %add3A_685, %mul3A_686 : i32
        %add3A_688 = arith.constant 0 : i32
        %add3A_689 = arith.addi %mul3A_687, %add3A_688 : i32
        %dma_start3A_690 = arith.constant 0 : i32
        %dma_start3A_691 = arith.constant 0 : i32
        %dma_start3A_692 = arith.constant 0 : i32
        %dma_start3A_693 = arith.constant 0 : i32
        %dma_start3A_694 = tpu.memref_slice %arg6[%dma_start3A_690, %dma_start3A_692, %dma_start3A_693] : memref<8x56x128xf32, #tpu.memory_space<vmem>> -> memref<1x50x128xf32, #tpu.memory_space<vmem>>
        %dma_start3A_695 = tpu.memref_squeeze %dma_start3A_694 : memref<1x50x128xf32, #tpu.memory_space<vmem>> -> memref<50x128xf32, #tpu.memory_space<vmem>>
        %dma_start3A_696 = arith.constant 0 : i32
        %dma_start3A_697 = tpu.memref_slice %arg5[%add3A_689, %dma_start3A_696] : memref<128x50xi32, #tpu.memory_space<vmem>> -> memref<1x50xi32, #tpu.memory_space<vmem>>
        %dma_start3A_698 = tpu.memref_squeeze %dma_start3A_697 : memref<1x50xi32, #tpu.memory_space<vmem>> -> memref<50xi32, #tpu.memory_space<vmem>>
        %dma_start3A_699 = arith.constant 0 : i32
        %dma_start3A_700 = arith.constant 0 : i32
        %dma_start3A_701 = tpu.memref_slice %arg3[%dma_start3A_699, %dma_start3A_700] : memref<100000x128xf32, #tpu.memory_space<hbm>> -> memref<100000x128xf32, #tpu.memory_space<hbm>>
        %dma_start3A_702 = tpu.memref_slice %arg7[%dma_start3A_691] : memref<8x!tpu.dma_semaphore, #tpu.memory_space<semaphore_mem>> -> memref<1x!tpu.dma_semaphore, #tpu.memory_space<semaphore_mem>>
        %dma_start3A_703 = tpu.memref_squeeze %dma_start3A_702 : memref<1x!tpu.dma_semaphore, #tpu.memory_space<semaphore_mem>> -> memref<!tpu.dma_semaphore, #tpu.memory_space<semaphore_mem>>
        tpu.enqueue_indirect_dma source(%dma_start3A_701 : memref<100000x128xf32, #tpu.memory_space<hbm>>) target(%dma_start3A_695 : memref<50x128xf32, #tpu.memory_space<vmem>>) offsets(%dma_start3A_698 : memref<50xi32, #tpu.memory_space<vmem>>) semaphore(%dma_start3A_703 : memref<!tpu.dma_semaphore, #tpu.memory_space<semaphore_mem>>)
      } else {
      }
      %dma_wait3A_488 = arith.constant 1 : i32
      %dma_wait3A_489 = arith.constant 0 : i32
      %dma_wait3A_490 = arith.constant 1 : i32
      %dma_wait3A_491 = arith.constant 0 : i32
      %dma_wait3A_492 = arith.constant 0 : i32
      %dma_wait3A_493 = tpu.memref_slice %arg6[%dma_wait3A_488, %dma_wait3A_491, %dma_wait3A_492] : memref<8x56x128xf32, #tpu.memory_space<vmem>> -> memref<1x50x128xf32, #tpu.memory_space<vmem>>
      %dma_wait3A_494 = tpu.memref_squeeze %dma_wait3A_493 : memref<1x50x128xf32, #tpu.memory_space<vmem>> -> memref<50x128xf32, #tpu.memory_space<vmem>>
      %dma_wait3A_495 = arith.constant 0 : i32
      %dma_wait3A_496 = arith.constant 0 : i32
      %dma_wait3A_497 = tpu.memref_slice %arg4[%dma_wait3A_489, %dma_wait3A_495, %dma_wait3A_496] : memref<4096x50x128xf32, #tpu.memory_space<hbm>> -> memref<1x50x128xf32, #tpu.memory_space<hbm>>
      %dma_wait3A_498 = tpu.memref_squeeze %dma_wait3A_497 : memref<1x50x128xf32, #tpu.memory_space<hbm>> -> memref<50x128xf32, #tpu.memory_space<hbm>>
      %dma_wait3A_499 = tpu.memref_slice %arg8[%dma_wait3A_490] : memref<8x!tpu.dma_semaphore, #tpu.memory_space<semaphore_mem>> -> memref<1x!tpu.dma_semaphore, #tpu.memory_space<semaphore_mem>>
      %dma_wait3A_500 = tpu.memref_squeeze %dma_wait3A_499 : memref<1x!tpu.dma_semaphore, #tpu.memory_space<semaphore_mem>> -> memref<!tpu.dma_semaphore, #tpu.memory_space<semaphore_mem>>
      %dma_wait3A_501 = arith.constant 0 : i32
      %dma_wait3A_502 = arith.constant 0 : i32
      %dma_wait3A_503 = tpu.memref_slice %arg4[%dma_wait3A_489, %dma_wait3A_501, %dma_wait3A_502] : memref<4096x50x128xf32, #tpu.memory_space<hbm>> -> memref<1x50x128xf32, #tpu.memory_space<hbm>>
      %dma_wait3A_504 = tpu.memref_squeeze %dma_wait3A_503 : memref<1x50x128xf32, #tpu.memory_space<hbm>> -> memref<50x128xf32, #tpu.memory_space<hbm>>
      %dma_wait3A_505 = arith.constant 0 : i32
      %dma_wait3A_506 = arith.constant 0 : i32
      %dma_wait3A_507 = tpu.memref_slice %arg6[%dma_wait3A_488, %dma_wait3A_505, %dma_wait3A_506] : memref<8x56x128xf32, #tpu.memory_space<vmem>> -> memref<1x50x128xf32, #tpu.memory_space<vmem>>
      %dma_wait3A_508 = tpu.memref_squeeze %dma_wait3A_507 : memref<1x50x128xf32, #tpu.memory_space<vmem>> -> memref<50x128xf32, #tpu.memory_space<vmem>>
      tpu.wait_dma2 semaphore(%dma_wait3A_500 : memref<!tpu.dma_semaphore, #tpu.memory_space<semaphore_mem>>) src(%dma_wait3A_508 : memref<50x128xf32, #tpu.memory_space<vmem>>) dst(%dma_wait3A_504 : memref<50x128xf32, #tpu.memory_space<hbm>>)
      %add3A_509 = arith.constant 1 : i32
      %add3A_510 = arith.addi %scan3A_127, %add3A_509 : i32
      %lt3A_511 = arith.constant 16 : i32
      %lt3A_512 = arith.cmpi slt, %add3A_510, %lt3A_511 : i32
      %convert_element_type3A_513 = arith.extui %lt3A_512 : i1 to i32
      %cond3A_514 = arith.constant 0 : i32
      %cond3A_515 = arith.cmpi ne, %convert_element_type3A_513, %cond3A_514 : i32
      scf.if %cond3A_515 {
        %add3A_684 = arith.constant 1 : i32
        %add3A_685 = arith.addi %scan3A_127, %add3A_684 : i32
        %mul3A_686 = arith.constant 8 : i32
        %mul3A_687 = arith.muli %add3A_685, %mul3A_686 : i32
        %add3A_688 = arith.constant 1 : i32
        %add3A_689 = arith.addi %mul3A_687, %add3A_688 : i32
        %dma_start3A_690 = arith.constant 1 : i32
        %dma_start3A_691 = arith.constant 1 : i32
        %dma_start3A_692 = arith.constant 0 : i32
        %dma_start3A_693 = arith.constant 0 : i32
        %dma_start3A_694 = tpu.memref_slice %arg6[%dma_start3A_690, %dma_start3A_692, %dma_start3A_693] : memref<8x56x128xf32, #tpu.memory_space<vmem>> -> memref<1x50x128xf32, #tpu.memory_space<vmem>>
        %dma_start3A_695 = tpu.memref_squeeze %dma_start3A_694 : memref<1x50x128xf32, #tpu.memory_space<vmem>> -> memref<50x128xf32, #tpu.memory_space<vmem>>
        %dma_start3A_696 = arith.constant 0 : i32
        %dma_start3A_697 = tpu.memref_slice %arg5[%add3A_689, %dma_start3A_696] : memref<128x50xi32, #tpu.memory_space<vmem>> -> memref<1x50xi32, #tpu.memory_space<vmem>>
        %dma_start3A_698 = tpu.memref_squeeze %dma_start3A_697 : memref<1x50xi32, #tpu.memory_space<vmem>> -> memref<50xi32, #tpu.memory_space<vmem>>
        %dma_start3A_699 = arith.constant 0 : i32
        %dma_start3A_700 = arith.constant 0 : i32
        %dma_start3A_701 = tpu.memref_slice %arg3[%dma_start3A_699, %dma_start3A_700] : memref<100000x128xf32, #tpu.memory_space<hbm>> -> memref<100000x128xf32, #tpu.memory_space<hbm>>
        %dma_start3A_702 = tpu.memref_slice %arg7[%dma_start3A_691] : memref<8x!tpu.dma_semaphore, #tpu.memory_space<semaphore_mem>> -> memref<1x!tpu.dma_semaphore, #tpu.memory_space<semaphore_mem>>
        %dma_start3A_703 = tpu.memref_squeeze %dma_start3A_702 : memref<1x!tpu.dma_semaphore, #tpu.memory_space<semaphore_mem>> -> memref<!tpu.dma_semaphore, #tpu.memory_space<semaphore_mem>>
        tpu.enqueue_indirect_dma source(%dma_start3A_701 : memref<100000x128xf32, #tpu.memory_space<hbm>>) target(%dma_start3A_695 : memref<50x128xf32, #tpu.memory_space<vmem>>) offsets(%dma_start3A_698 : memref<50xi32, #tpu.memory_space<vmem>>) semaphore(%dma_start3A_703 : memref<!tpu.dma_semaphore, #tpu.memory_space<semaphore_mem>>)
      } else {
      }
      %dma_wait3A_516 = arith.constant 2 : i32
      %dma_wait3A_517 = arith.constant 0 : i32
      %dma_wait3A_518 = arith.constant 2 : i32
      %dma_wait3A_519 = arith.constant 0 : i32
      %dma_wait3A_520 = arith.constant 0 : i32
      %dma_wait3A_521 = tpu.memref_slice %arg6[%dma_wait3A_516, %dma_wait3A_519, %dma_wait3A_520] : memref<8x56x128xf32, #tpu.memory_space<vmem>> -> memref<1x50x128xf32, #tpu.memory_space<vmem>>
      %dma_wait3A_522 = tpu.memref_squeeze %dma_wait3A_521 : memref<1x50x128xf32, #tpu.memory_space<vmem>> -> memref<50x128xf32, #tpu.memory_space<vmem>>
      %dma_wait3A_523 = arith.constant 0 : i32
      %dma_wait3A_524 = arith.constant 0 : i32
      %dma_wait3A_525 = tpu.memref_slice %arg4[%dma_wait3A_517, %dma_wait3A_523, %dma_wait3A_524] : memref<4096x50x128xf32, #tpu.memory_space<hbm>> -> memref<1x50x128xf32, #tpu.memory_space<hbm>>
      %dma_wait3A_526 = tpu.memref_squeeze %dma_wait3A_525 : memref<1x50x128xf32, #tpu.memory_space<hbm>> -> memref<50x128xf32, #tpu.memory_space<hbm>>
      %dma_wait3A_527 = tpu.memref_slice %arg8[%dma_wait3A_518] : memref<8x!tpu.dma_semaphore, #tpu.memory_space<semaphore_mem>> -> memref<1x!tpu.dma_semaphore, #tpu.memory_space<semaphore_mem>>
      %dma_wait3A_528 = tpu.memref_squeeze %dma_wait3A_527 : memref<1x!tpu.dma_semaphore, #tpu.memory_space<semaphore_mem>> -> memref<!tpu.dma_semaphore, #tpu.memory_space<semaphore_mem>>
      %dma_wait3A_529 = arith.constant 0 : i32
      %dma_wait3A_530 = arith.constant 0 : i32
      %dma_wait3A_531 = tpu.memref_slice %arg4[%dma_wait3A_517, %dma_wait3A_529, %dma_wait3A_530] : memref<4096x50x128xf32, #tpu.memory_space<hbm>> -> memref<1x50x128xf32, #tpu.memory_space<hbm>>
      %dma_wait3A_532 = tpu.memref_squeeze %dma_wait3A_531 : memref<1x50x128xf32, #tpu.memory_space<hbm>> -> memref<50x128xf32, #tpu.memory_space<hbm>>
      %dma_wait3A_533 = arith.constant 0 : i32
      %dma_wait3A_534 = arith.constant 0 : i32
      %dma_wait3A_535 = tpu.memref_slice %arg6[%dma_wait3A_516, %dma_wait3A_533, %dma_wait3A_534] : memref<8x56x128xf32, #tpu.memory_space<vmem>> -> memref<1x50x128xf32, #tpu.memory_space<vmem>>
      %dma_wait3A_536 = tpu.memref_squeeze %dma_wait3A_535 : memref<1x50x128xf32, #tpu.memory_space<vmem>> -> memref<50x128xf32, #tpu.memory_space<vmem>>
      tpu.wait_dma2 semaphore(%dma_wait3A_528 : memref<!tpu.dma_semaphore, #tpu.memory_space<semaphore_mem>>) src(%dma_wait3A_536 : memref<50x128xf32, #tpu.memory_space<vmem>>) dst(%dma_wait3A_532 : memref<50x128xf32, #tpu.memory_space<hbm>>)
      %add3A_537 = arith.constant 1 : i32
      %add3A_538 = arith.addi %scan3A_127, %add3A_537 : i32
      %lt3A_539 = arith.constant 16 : i32
      %lt3A_540 = arith.cmpi slt, %add3A_538, %lt3A_539 : i32
      %convert_element_type3A_541 = arith.extui %lt3A_540 : i1 to i32
      %cond3A_542 = arith.constant 0 : i32
      %cond3A_543 = arith.cmpi ne, %convert_element_type3A_541, %cond3A_542 : i32
      scf.if %cond3A_543 {
        %add3A_684 = arith.constant 1 : i32
        %add3A_685 = arith.addi %scan3A_127, %add3A_684 : i32
        %mul3A_686 = arith.constant 8 : i32
        %mul3A_687 = arith.muli %add3A_685, %mul3A_686 : i32
        %add3A_688 = arith.constant 2 : i32
        %add3A_689 = arith.addi %mul3A_687, %add3A_688 : i32
        %dma_start3A_690 = arith.constant 2 : i32
        %dma_start3A_691 = arith.constant 2 : i32
        %dma_start3A_692 = arith.constant 0 : i32
        %dma_start3A_693 = arith.constant 0 : i32
        %dma_start3A_694 = tpu.memref_slice %arg6[%dma_start3A_690, %dma_start3A_692, %dma_start3A_693] : memref<8x56x128xf32, #tpu.memory_space<vmem>> -> memref<1x50x128xf32, #tpu.memory_space<vmem>>
        %dma_start3A_695 = tpu.memref_squeeze %dma_start3A_694 : memref<1x50x128xf32, #tpu.memory_space<vmem>> -> memref<50x128xf32, #tpu.memory_space<vmem>>
        %dma_start3A_696 = arith.constant 0 : i32
        %dma_start3A_697 = tpu.memref_slice %arg5[%add3A_689, %dma_start3A_696] : memref<128x50xi32, #tpu.memory_space<vmem>> -> memref<1x50xi32, #tpu.memory_space<vmem>>
        %dma_start3A_698 = tpu.memref_squeeze %dma_start3A_697 : memref<1x50xi32, #tpu.memory_space<vmem>> -> memref<50xi32, #tpu.memory_space<vmem>>
        %dma_start3A_699 = arith.constant 0 : i32
        %dma_start3A_700 = arith.constant 0 : i32
        %dma_start3A_701 = tpu.memref_slice %arg3[%dma_start3A_699, %dma_start3A_700] : memref<100000x128xf32, #tpu.memory_space<hbm>> -> memref<100000x128xf32, #tpu.memory_space<hbm>>
        %dma_start3A_702 = tpu.memref_slice %arg7[%dma_start3A_691] : memref<8x!tpu.dma_semaphore, #tpu.memory_space<semaphore_mem>> -> memref<1x!tpu.dma_semaphore, #tpu.memory_space<semaphore_mem>>
        %dma_start3A_703 = tpu.memref_squeeze %dma_start3A_702 : memref<1x!tpu.dma_semaphore, #tpu.memory_space<semaphore_mem>> -> memref<!tpu.dma_semaphore, #tpu.memory_space<semaphore_mem>>
        tpu.enqueue_indirect_dma source(%dma_start3A_701 : memref<100000x128xf32, #tpu.memory_space<hbm>>) target(%dma_start3A_695 : memref<50x128xf32, #tpu.memory_space<vmem>>) offsets(%dma_start3A_698 : memref<50xi32, #tpu.memory_space<vmem>>) semaphore(%dma_start3A_703 : memref<!tpu.dma_semaphore, #tpu.memory_space<semaphore_mem>>)
      } else {
      }
      %dma_wait3A_544 = arith.constant 3 : i32
      %dma_wait3A_545 = arith.constant 0 : i32
      %dma_wait3A_546 = arith.constant 3 : i32
      %dma_wait3A_547 = arith.constant 0 : i32
      %dma_wait3A_548 = arith.constant 0 : i32
      %dma_wait3A_549 = tpu.memref_slice %arg6[%dma_wait3A_544, %dma_wait3A_547, %dma_wait3A_548] : memref<8x56x128xf32, #tpu.memory_space<vmem>> -> memref<1x50x128xf32, #tpu.memory_space<vmem>>
      %dma_wait3A_550 = tpu.memref_squeeze %dma_wait3A_549 : memref<1x50x128xf32, #tpu.memory_space<vmem>> -> memref<50x128xf32, #tpu.memory_space<vmem>>
      %dma_wait3A_551 = arith.constant 0 : i32
      %dma_wait3A_552 = arith.constant 0 : i32
      %dma_wait3A_553 = tpu.memref_slice %arg4[%dma_wait3A_545, %dma_wait3A_551, %dma_wait3A_552] : memref<4096x50x128xf32, #tpu.memory_space<hbm>> -> memref<1x50x128xf32, #tpu.memory_space<hbm>>
      %dma_wait3A_554 = tpu.memref_squeeze %dma_wait3A_553 : memref<1x50x128xf32, #tpu.memory_space<hbm>> -> memref<50x128xf32, #tpu.memory_space<hbm>>
      %dma_wait3A_555 = tpu.memref_slice %arg8[%dma_wait3A_546] : memref<8x!tpu.dma_semaphore, #tpu.memory_space<semaphore_mem>> -> memref<1x!tpu.dma_semaphore, #tpu.memory_space<semaphore_mem>>
      %dma_wait3A_556 = tpu.memref_squeeze %dma_wait3A_555 : memref<1x!tpu.dma_semaphore, #tpu.memory_space<semaphore_mem>> -> memref<!tpu.dma_semaphore, #tpu.memory_space<semaphore_mem>>
      %dma_wait3A_557 = arith.constant 0 : i32
      %dma_wait3A_558 = arith.constant 0 : i32
      %dma_wait3A_559 = tpu.memref_slice %arg4[%dma_wait3A_545, %dma_wait3A_557, %dma_wait3A_558] : memref<4096x50x128xf32, #tpu.memory_space<hbm>> -> memref<1x50x128xf32, #tpu.memory_space<hbm>>
      %dma_wait3A_560 = tpu.memref_squeeze %dma_wait3A_559 : memref<1x50x128xf32, #tpu.memory_space<hbm>> -> memref<50x128xf32, #tpu.memory_space<hbm>>
      %dma_wait3A_561 = arith.constant 0 : i32
      %dma_wait3A_562 = arith.constant 0 : i32
      %dma_wait3A_563 = tpu.memref_slice %arg6[%dma_wait3A_544, %dma_wait3A_561, %dma_wait3A_562] : memref<8x56x128xf32, #tpu.memory_space<vmem>> -> memref<1x50x128xf32, #tpu.memory_space<vmem>>
      %dma_wait3A_564 = tpu.memref_squeeze %dma_wait3A_563 : memref<1x50x128xf32, #tpu.memory_space<vmem>> -> memref<50x128xf32, #tpu.memory_space<vmem>>
      tpu.wait_dma2 semaphore(%dma_wait3A_556 : memref<!tpu.dma_semaphore, #tpu.memory_space<semaphore_mem>>) src(%dma_wait3A_564 : memref<50x128xf32, #tpu.memory_space<vmem>>) dst(%dma_wait3A_560 : memref<50x128xf32, #tpu.memory_space<hbm>>)
      %add3A_565 = arith.constant 1 : i32
      %add3A_566 = arith.addi %scan3A_127, %add3A_565 : i32
      %lt3A_567 = arith.constant 16 : i32
      %lt3A_568 = arith.cmpi slt, %add3A_566, %lt3A_567 : i32
      %convert_element_type3A_569 = arith.extui %lt3A_568 : i1 to i32
      %cond3A_570 = arith.constant 0 : i32
      %cond3A_571 = arith.cmpi ne, %convert_element_type3A_569, %cond3A_570 : i32
      scf.if %cond3A_571 {
        %add3A_684 = arith.constant 1 : i32
        %add3A_685 = arith.addi %scan3A_127, %add3A_684 : i32
        %mul3A_686 = arith.constant 8 : i32
        %mul3A_687 = arith.muli %add3A_685, %mul3A_686 : i32
        %add3A_688 = arith.constant 3 : i32
        %add3A_689 = arith.addi %mul3A_687, %add3A_688 : i32
        %dma_start3A_690 = arith.constant 3 : i32
        %dma_start3A_691 = arith.constant 3 : i32
        %dma_start3A_692 = arith.constant 0 : i32
        %dma_start3A_693 = arith.constant 0 : i32
        %dma_start3A_694 = tpu.memref_slice %arg6[%dma_start3A_690, %dma_start3A_692, %dma_start3A_693] : memref<8x56x128xf32, #tpu.memory_space<vmem>> -> memref<1x50x128xf32, #tpu.memory_space<vmem>>
        %dma_start3A_695 = tpu.memref_squeeze %dma_start3A_694 : memref<1x50x128xf32, #tpu.memory_space<vmem>> -> memref<50x128xf32, #tpu.memory_space<vmem>>
        %dma_start3A_696 = arith.constant 0 : i32
        %dma_start3A_697 = tpu.memref_slice %arg5[%add3A_689, %dma_start3A_696] : memref<128x50xi32, #tpu.memory_space<vmem>> -> memref<1x50xi32, #tpu.memory_space<vmem>>
        %dma_start3A_698 = tpu.memref_squeeze %dma_start3A_697 : memref<1x50xi32, #tpu.memory_space<vmem>> -> memref<50xi32, #tpu.memory_space<vmem>>
        %dma_start3A_699 = arith.constant 0 : i32
        %dma_start3A_700 = arith.constant 0 : i32
        %dma_start3A_701 = tpu.memref_slice %arg3[%dma_start3A_699, %dma_start3A_700] : memref<100000x128xf32, #tpu.memory_space<hbm>> -> memref<100000x128xf32, #tpu.memory_space<hbm>>
        %dma_start3A_702 = tpu.memref_slice %arg7[%dma_start3A_691] : memref<8x!tpu.dma_semaphore, #tpu.memory_space<semaphore_mem>> -> memref<1x!tpu.dma_semaphore, #tpu.memory_space<semaphore_mem>>
        %dma_start3A_703 = tpu.memref_squeeze %dma_start3A_702 : memref<1x!tpu.dma_semaphore, #tpu.memory_space<semaphore_mem>> -> memref<!tpu.dma_semaphore, #tpu.memory_space<semaphore_mem>>
        tpu.enqueue_indirect_dma source(%dma_start3A_701 : memref<100000x128xf32, #tpu.memory_space<hbm>>) target(%dma_start3A_695 : memref<50x128xf32, #tpu.memory_space<vmem>>) offsets(%dma_start3A_698 : memref<50xi32, #tpu.memory_space<vmem>>) semaphore(%dma_start3A_703 : memref<!tpu.dma_semaphore, #tpu.memory_space<semaphore_mem>>)
      } else {
      }
      %dma_wait3A_572 = arith.constant 4 : i32
      %dma_wait3A_573 = arith.constant 0 : i32
      %dma_wait3A_574 = arith.constant 4 : i32
      %dma_wait3A_575 = arith.constant 0 : i32
      %dma_wait3A_576 = arith.constant 0 : i32
      %dma_wait3A_577 = tpu.memref_slice %arg6[%dma_wait3A_572, %dma_wait3A_575, %dma_wait3A_576] : memref<8x56x128xf32, #tpu.memory_space<vmem>> -> memref<1x50x128xf32, #tpu.memory_space<vmem>>
      %dma_wait3A_578 = tpu.memref_squeeze %dma_wait3A_577 : memref<1x50x128xf32, #tpu.memory_space<vmem>> -> memref<50x128xf32, #tpu.memory_space<vmem>>
      %dma_wait3A_579 = arith.constant 0 : i32
      %dma_wait3A_580 = arith.constant 0 : i32
      %dma_wait3A_581 = tpu.memref_slice %arg4[%dma_wait3A_573, %dma_wait3A_579, %dma_wait3A_580] : memref<4096x50x128xf32, #tpu.memory_space<hbm>> -> memref<1x50x128xf32, #tpu.memory_space<hbm>>
      %dma_wait3A_582 = tpu.memref_squeeze %dma_wait3A_581 : memref<1x50x128xf32, #tpu.memory_space<hbm>> -> memref<50x128xf32, #tpu.memory_space<hbm>>
      %dma_wait3A_583 = tpu.memref_slice %arg8[%dma_wait3A_574] : memref<8x!tpu.dma_semaphore, #tpu.memory_space<semaphore_mem>> -> memref<1x!tpu.dma_semaphore, #tpu.memory_space<semaphore_mem>>
      %dma_wait3A_584 = tpu.memref_squeeze %dma_wait3A_583 : memref<1x!tpu.dma_semaphore, #tpu.memory_space<semaphore_mem>> -> memref<!tpu.dma_semaphore, #tpu.memory_space<semaphore_mem>>
      %dma_wait3A_585 = arith.constant 0 : i32
      %dma_wait3A_586 = arith.constant 0 : i32
      %dma_wait3A_587 = tpu.memref_slice %arg4[%dma_wait3A_573, %dma_wait3A_585, %dma_wait3A_586] : memref<4096x50x128xf32, #tpu.memory_space<hbm>> -> memref<1x50x128xf32, #tpu.memory_space<hbm>>
      %dma_wait3A_588 = tpu.memref_squeeze %dma_wait3A_587 : memref<1x50x128xf32, #tpu.memory_space<hbm>> -> memref<50x128xf32, #tpu.memory_space<hbm>>
      %dma_wait3A_589 = arith.constant 0 : i32
      %dma_wait3A_590 = arith.constant 0 : i32
      %dma_wait3A_591 = tpu.memref_slice %arg6[%dma_wait3A_572, %dma_wait3A_589, %dma_wait3A_590] : memref<8x56x128xf32, #tpu.memory_space<vmem>> -> memref<1x50x128xf32, #tpu.memory_space<vmem>>
      %dma_wait3A_592 = tpu.memref_squeeze %dma_wait3A_591 : memref<1x50x128xf32, #tpu.memory_space<vmem>> -> memref<50x128xf32, #tpu.memory_space<vmem>>
      tpu.wait_dma2 semaphore(%dma_wait3A_584 : memref<!tpu.dma_semaphore, #tpu.memory_space<semaphore_mem>>) src(%dma_wait3A_592 : memref<50x128xf32, #tpu.memory_space<vmem>>) dst(%dma_wait3A_588 : memref<50x128xf32, #tpu.memory_space<hbm>>)
      %add3A_593 = arith.constant 1 : i32
      %add3A_594 = arith.addi %scan3A_127, %add3A_593 : i32
      %lt3A_595 = arith.constant 16 : i32
      %lt3A_596 = arith.cmpi slt, %add3A_594, %lt3A_595 : i32
      %convert_element_type3A_597 = arith.extui %lt3A_596 : i1 to i32
      %cond3A_598 = arith.constant 0 : i32
      %cond3A_599 = arith.cmpi ne, %convert_element_type3A_597, %cond3A_598 : i32
      scf.if %cond3A_599 {
        %add3A_684 = arith.constant 1 : i32
        %add3A_685 = arith.addi %scan3A_127, %add3A_684 : i32
        %mul3A_686 = arith.constant 8 : i32
        %mul3A_687 = arith.muli %add3A_685, %mul3A_686 : i32
        %add3A_688 = arith.constant 4 : i32
        %add3A_689 = arith.addi %mul3A_687, %add3A_688 : i32
        %dma_start3A_690 = arith.constant 4 : i32
        %dma_start3A_691 = arith.constant 4 : i32
        %dma_start3A_692 = arith.constant 0 : i32
        %dma_start3A_693 = arith.constant 0 : i32
        %dma_start3A_694 = tpu.memref_slice %arg6[%dma_start3A_690, %dma_start3A_692, %dma_start3A_693] : memref<8x56x128xf32, #tpu.memory_space<vmem>> -> memref<1x50x128xf32, #tpu.memory_space<vmem>>
        %dma_start3A_695 = tpu.memref_squeeze %dma_start3A_694 : memref<1x50x128xf32, #tpu.memory_space<vmem>> -> memref<50x128xf32, #tpu.memory_space<vmem>>
        %dma_start3A_696 = arith.constant 0 : i32
        %dma_start3A_697 = tpu.memref_slice %arg5[%add3A_689, %dma_start3A_696] : memref<128x50xi32, #tpu.memory_space<vmem>> -> memref<1x50xi32, #tpu.memory_space<vmem>>
        %dma_start3A_698 = tpu.memref_squeeze %dma_start3A_697 : memref<1x50xi32, #tpu.memory_space<vmem>> -> memref<50xi32, #tpu.memory_space<vmem>>
        %dma_start3A_699 = arith.constant 0 : i32
        %dma_start3A_700 = arith.constant 0 : i32
        %dma_start3A_701 = tpu.memref_slice %arg3[%dma_start3A_699, %dma_start3A_700] : memref<100000x128xf32, #tpu.memory_space<hbm>> -> memref<100000x128xf32, #tpu.memory_space<hbm>>
        %dma_start3A_702 = tpu.memref_slice %arg7[%dma_start3A_691] : memref<8x!tpu.dma_semaphore, #tpu.memory_space<semaphore_mem>> -> memref<1x!tpu.dma_semaphore, #tpu.memory_space<semaphore_mem>>
        %dma_start3A_703 = tpu.memref_squeeze %dma_start3A_702 : memref<1x!tpu.dma_semaphore, #tpu.memory_space<semaphore_mem>> -> memref<!tpu.dma_semaphore, #tpu.memory_space<semaphore_mem>>
        tpu.enqueue_indirect_dma source(%dma_start3A_701 : memref<100000x128xf32, #tpu.memory_space<hbm>>) target(%dma_start3A_695 : memref<50x128xf32, #tpu.memory_space<vmem>>) offsets(%dma_start3A_698 : memref<50xi32, #tpu.memory_space<vmem>>) semaphore(%dma_start3A_703 : memref<!tpu.dma_semaphore, #tpu.memory_space<semaphore_mem>>)
      } else {
      }
      %dma_wait3A_600 = arith.constant 5 : i32
      %dma_wait3A_601 = arith.constant 0 : i32
      %dma_wait3A_602 = arith.constant 5 : i32
      %dma_wait3A_603 = arith.constant 0 : i32
      %dma_wait3A_604 = arith.constant 0 : i32
      %dma_wait3A_605 = tpu.memref_slice %arg6[%dma_wait3A_600, %dma_wait3A_603, %dma_wait3A_604] : memref<8x56x128xf32, #tpu.memory_space<vmem>> -> memref<1x50x128xf32, #tpu.memory_space<vmem>>
      %dma_wait3A_606 = tpu.memref_squeeze %dma_wait3A_605 : memref<1x50x128xf32, #tpu.memory_space<vmem>> -> memref<50x128xf32, #tpu.memory_space<vmem>>
      %dma_wait3A_607 = arith.constant 0 : i32
      %dma_wait3A_608 = arith.constant 0 : i32
      %dma_wait3A_609 = tpu.memref_slice %arg4[%dma_wait3A_601, %dma_wait3A_607, %dma_wait3A_608] : memref<4096x50x128xf32, #tpu.memory_space<hbm>> -> memref<1x50x128xf32, #tpu.memory_space<hbm>>
      %dma_wait3A_610 = tpu.memref_squeeze %dma_wait3A_609 : memref<1x50x128xf32, #tpu.memory_space<hbm>> -> memref<50x128xf32, #tpu.memory_space<hbm>>
      %dma_wait3A_611 = tpu.memref_slice %arg8[%dma_wait3A_602] : memref<8x!tpu.dma_semaphore, #tpu.memory_space<semaphore_mem>> -> memref<1x!tpu.dma_semaphore, #tpu.memory_space<semaphore_mem>>
      %dma_wait3A_612 = tpu.memref_squeeze %dma_wait3A_611 : memref<1x!tpu.dma_semaphore, #tpu.memory_space<semaphore_mem>> -> memref<!tpu.dma_semaphore, #tpu.memory_space<semaphore_mem>>
      %dma_wait3A_613 = arith.constant 0 : i32
      %dma_wait3A_614 = arith.constant 0 : i32
      %dma_wait3A_615 = tpu.memref_slice %arg4[%dma_wait3A_601, %dma_wait3A_613, %dma_wait3A_614] : memref<4096x50x128xf32, #tpu.memory_space<hbm>> -> memref<1x50x128xf32, #tpu.memory_space<hbm>>
      %dma_wait3A_616 = tpu.memref_squeeze %dma_wait3A_615 : memref<1x50x128xf32, #tpu.memory_space<hbm>> -> memref<50x128xf32, #tpu.memory_space<hbm>>
      %dma_wait3A_617 = arith.constant 0 : i32
      %dma_wait3A_618 = arith.constant 0 : i32
      %dma_wait3A_619 = tpu.memref_slice %arg6[%dma_wait3A_600, %dma_wait3A_617, %dma_wait3A_618] : memref<8x56x128xf32, #tpu.memory_space<vmem>> -> memref<1x50x128xf32, #tpu.memory_space<vmem>>
      %dma_wait3A_620 = tpu.memref_squeeze %dma_wait3A_619 : memref<1x50x128xf32, #tpu.memory_space<vmem>> -> memref<50x128xf32, #tpu.memory_space<vmem>>
      tpu.wait_dma2 semaphore(%dma_wait3A_612 : memref<!tpu.dma_semaphore, #tpu.memory_space<semaphore_mem>>) src(%dma_wait3A_620 : memref<50x128xf32, #tpu.memory_space<vmem>>) dst(%dma_wait3A_616 : memref<50x128xf32, #tpu.memory_space<hbm>>)
      %add3A_621 = arith.constant 1 : i32
      %add3A_622 = arith.addi %scan3A_127, %add3A_621 : i32
      %lt3A_623 = arith.constant 16 : i32
      %lt3A_624 = arith.cmpi slt, %add3A_622, %lt3A_623 : i32
      %convert_element_type3A_625 = arith.extui %lt3A_624 : i1 to i32
      %cond3A_626 = arith.constant 0 : i32
      %cond3A_627 = arith.cmpi ne, %convert_element_type3A_625, %cond3A_626 : i32
      scf.if %cond3A_627 {
        %add3A_684 = arith.constant 1 : i32
        %add3A_685 = arith.addi %scan3A_127, %add3A_684 : i32
        %mul3A_686 = arith.constant 8 : i32
        %mul3A_687 = arith.muli %add3A_685, %mul3A_686 : i32
        %add3A_688 = arith.constant 5 : i32
        %add3A_689 = arith.addi %mul3A_687, %add3A_688 : i32
        %dma_start3A_690 = arith.constant 5 : i32
        %dma_start3A_691 = arith.constant 5 : i32
        %dma_start3A_692 = arith.constant 0 : i32
        %dma_start3A_693 = arith.constant 0 : i32
        %dma_start3A_694 = tpu.memref_slice %arg6[%dma_start3A_690, %dma_start3A_692, %dma_start3A_693] : memref<8x56x128xf32, #tpu.memory_space<vmem>> -> memref<1x50x128xf32, #tpu.memory_space<vmem>>
        %dma_start3A_695 = tpu.memref_squeeze %dma_start3A_694 : memref<1x50x128xf32, #tpu.memory_space<vmem>> -> memref<50x128xf32, #tpu.memory_space<vmem>>
        %dma_start3A_696 = arith.constant 0 : i32
        %dma_start3A_697 = tpu.memref_slice %arg5[%add3A_689, %dma_start3A_696] : memref<128x50xi32, #tpu.memory_space<vmem>> -> memref<1x50xi32, #tpu.memory_space<vmem>>
        %dma_start3A_698 = tpu.memref_squeeze %dma_start3A_697 : memref<1x50xi32, #tpu.memory_space<vmem>> -> memref<50xi32, #tpu.memory_space<vmem>>
        %dma_start3A_699 = arith.constant 0 : i32
        %dma_start3A_700 = arith.constant 0 : i32
        %dma_start3A_701 = tpu.memref_slice %arg3[%dma_start3A_699, %dma_start3A_700] : memref<100000x128xf32, #tpu.memory_space<hbm>> -> memref<100000x128xf32, #tpu.memory_space<hbm>>
        %dma_start3A_702 = tpu.memref_slice %arg7[%dma_start3A_691] : memref<8x!tpu.dma_semaphore, #tpu.memory_space<semaphore_mem>> -> memref<1x!tpu.dma_semaphore, #tpu.memory_space<semaphore_mem>>
        %dma_start3A_703 = tpu.memref_squeeze %dma_start3A_702 : memref<1x!tpu.dma_semaphore, #tpu.memory_space<semaphore_mem>> -> memref<!tpu.dma_semaphore, #tpu.memory_space<semaphore_mem>>
        tpu.enqueue_indirect_dma source(%dma_start3A_701 : memref<100000x128xf32, #tpu.memory_space<hbm>>) target(%dma_start3A_695 : memref<50x128xf32, #tpu.memory_space<vmem>>) offsets(%dma_start3A_698 : memref<50xi32, #tpu.memory_space<vmem>>) semaphore(%dma_start3A_703 : memref<!tpu.dma_semaphore, #tpu.memory_space<semaphore_mem>>)
      } else {
      }
      %dma_wait3A_628 = arith.constant 6 : i32
      %dma_wait3A_629 = arith.constant 0 : i32
      %dma_wait3A_630 = arith.constant 6 : i32
      %dma_wait3A_631 = arith.constant 0 : i32
      %dma_wait3A_632 = arith.constant 0 : i32
      %dma_wait3A_633 = tpu.memref_slice %arg6[%dma_wait3A_628, %dma_wait3A_631, %dma_wait3A_632] : memref<8x56x128xf32, #tpu.memory_space<vmem>> -> memref<1x50x128xf32, #tpu.memory_space<vmem>>
      %dma_wait3A_634 = tpu.memref_squeeze %dma_wait3A_633 : memref<1x50x128xf32, #tpu.memory_space<vmem>> -> memref<50x128xf32, #tpu.memory_space<vmem>>
      %dma_wait3A_635 = arith.constant 0 : i32
      %dma_wait3A_636 = arith.constant 0 : i32
      %dma_wait3A_637 = tpu.memref_slice %arg4[%dma_wait3A_629, %dma_wait3A_635, %dma_wait3A_636] : memref<4096x50x128xf32, #tpu.memory_space<hbm>> -> memref<1x50x128xf32, #tpu.memory_space<hbm>>
      %dma_wait3A_638 = tpu.memref_squeeze %dma_wait3A_637 : memref<1x50x128xf32, #tpu.memory_space<hbm>> -> memref<50x128xf32, #tpu.memory_space<hbm>>
      %dma_wait3A_639 = tpu.memref_slice %arg8[%dma_wait3A_630] : memref<8x!tpu.dma_semaphore, #tpu.memory_space<semaphore_mem>> -> memref<1x!tpu.dma_semaphore, #tpu.memory_space<semaphore_mem>>
      %dma_wait3A_640 = tpu.memref_squeeze %dma_wait3A_639 : memref<1x!tpu.dma_semaphore, #tpu.memory_space<semaphore_mem>> -> memref<!tpu.dma_semaphore, #tpu.memory_space<semaphore_mem>>
      %dma_wait3A_641 = arith.constant 0 : i32
      %dma_wait3A_642 = arith.constant 0 : i32
      %dma_wait3A_643 = tpu.memref_slice %arg4[%dma_wait3A_629, %dma_wait3A_641, %dma_wait3A_642] : memref<4096x50x128xf32, #tpu.memory_space<hbm>> -> memref<1x50x128xf32, #tpu.memory_space<hbm>>
      %dma_wait3A_644 = tpu.memref_squeeze %dma_wait3A_643 : memref<1x50x128xf32, #tpu.memory_space<hbm>> -> memref<50x128xf32, #tpu.memory_space<hbm>>
      %dma_wait3A_645 = arith.constant 0 : i32
      %dma_wait3A_646 = arith.constant 0 : i32
      %dma_wait3A_647 = tpu.memref_slice %arg6[%dma_wait3A_628, %dma_wait3A_645, %dma_wait3A_646] : memref<8x56x128xf32, #tpu.memory_space<vmem>> -> memref<1x50x128xf32, #tpu.memory_space<vmem>>
      %dma_wait3A_648 = tpu.memref_squeeze %dma_wait3A_647 : memref<1x50x128xf32, #tpu.memory_space<vmem>> -> memref<50x128xf32, #tpu.memory_space<vmem>>
      tpu.wait_dma2 semaphore(%dma_wait3A_640 : memref<!tpu.dma_semaphore, #tpu.memory_space<semaphore_mem>>) src(%dma_wait3A_648 : memref<50x128xf32, #tpu.memory_space<vmem>>) dst(%dma_wait3A_644 : memref<50x128xf32, #tpu.memory_space<hbm>>)
      %add3A_649 = arith.constant 1 : i32
      %add3A_650 = arith.addi %scan3A_127, %add3A_649 : i32
      %lt3A_651 = arith.constant 16 : i32
      %lt3A_652 = arith.cmpi slt, %add3A_650, %lt3A_651 : i32
      %convert_element_type3A_653 = arith.extui %lt3A_652 : i1 to i32
      %cond3A_654 = arith.constant 0 : i32
      %cond3A_655 = arith.cmpi ne, %convert_element_type3A_653, %cond3A_654 : i32
      scf.if %cond3A_655 {
        %add3A_684 = arith.constant 1 : i32
        %add3A_685 = arith.addi %scan3A_127, %add3A_684 : i32
        %mul3A_686 = arith.constant 8 : i32
        %mul3A_687 = arith.muli %add3A_685, %mul3A_686 : i32
        %add3A_688 = arith.constant 6 : i32
        %add3A_689 = arith.addi %mul3A_687, %add3A_688 : i32
        %dma_start3A_690 = arith.constant 6 : i32
        %dma_start3A_691 = arith.constant 6 : i32
        %dma_start3A_692 = arith.constant 0 : i32
        %dma_start3A_693 = arith.constant 0 : i32
        %dma_start3A_694 = tpu.memref_slice %arg6[%dma_start3A_690, %dma_start3A_692, %dma_start3A_693] : memref<8x56x128xf32, #tpu.memory_space<vmem>> -> memref<1x50x128xf32, #tpu.memory_space<vmem>>
        %dma_start3A_695 = tpu.memref_squeeze %dma_start3A_694 : memref<1x50x128xf32, #tpu.memory_space<vmem>> -> memref<50x128xf32, #tpu.memory_space<vmem>>
        %dma_start3A_696 = arith.constant 0 : i32
        %dma_start3A_697 = tpu.memref_slice %arg5[%add3A_689, %dma_start3A_696] : memref<128x50xi32, #tpu.memory_space<vmem>> -> memref<1x50xi32, #tpu.memory_space<vmem>>
        %dma_start3A_698 = tpu.memref_squeeze %dma_start3A_697 : memref<1x50xi32, #tpu.memory_space<vmem>> -> memref<50xi32, #tpu.memory_space<vmem>>
        %dma_start3A_699 = arith.constant 0 : i32
        %dma_start3A_700 = arith.constant 0 : i32
        %dma_start3A_701 = tpu.memref_slice %arg3[%dma_start3A_699, %dma_start3A_700] : memref<100000x128xf32, #tpu.memory_space<hbm>> -> memref<100000x128xf32, #tpu.memory_space<hbm>>
        %dma_start3A_702 = tpu.memref_slice %arg7[%dma_start3A_691] : memref<8x!tpu.dma_semaphore, #tpu.memory_space<semaphore_mem>> -> memref<1x!tpu.dma_semaphore, #tpu.memory_space<semaphore_mem>>
        %dma_start3A_703 = tpu.memref_squeeze %dma_start3A_702 : memref<1x!tpu.dma_semaphore, #tpu.memory_space<semaphore_mem>> -> memref<!tpu.dma_semaphore, #tpu.memory_space<semaphore_mem>>
        tpu.enqueue_indirect_dma source(%dma_start3A_701 : memref<100000x128xf32, #tpu.memory_space<hbm>>) target(%dma_start3A_695 : memref<50x128xf32, #tpu.memory_space<vmem>>) offsets(%dma_start3A_698 : memref<50xi32, #tpu.memory_space<vmem>>) semaphore(%dma_start3A_703 : memref<!tpu.dma_semaphore, #tpu.memory_space<semaphore_mem>>)
      } else {
      }
      %dma_wait3A_656 = arith.constant 7 : i32
      %dma_wait3A_657 = arith.constant 0 : i32
      %dma_wait3A_658 = arith.constant 7 : i32
      %dma_wait3A_659 = arith.constant 0 : i32
      %dma_wait3A_660 = arith.constant 0 : i32
      %dma_wait3A_661 = tpu.memref_slice %arg6[%dma_wait3A_656, %dma_wait3A_659, %dma_wait3A_660] : memref<8x56x128xf32, #tpu.memory_space<vmem>> -> memref<1x50x128xf32, #tpu.memory_space<vmem>>
      %dma_wait3A_662 = tpu.memref_squeeze %dma_wait3A_661 : memref<1x50x128xf32, #tpu.memory_space<vmem>> -> memref<50x128xf32, #tpu.memory_space<vmem>>
      %dma_wait3A_663 = arith.constant 0 : i32
      %dma_wait3A_664 = arith.constant 0 : i32
      %dma_wait3A_665 = tpu.memref_slice %arg4[%dma_wait3A_657, %dma_wait3A_663, %dma_wait3A_664] : memref<4096x50x128xf32, #tpu.memory_space<hbm>> -> memref<1x50x128xf32, #tpu.memory_space<hbm>>
      %dma_wait3A_666 = tpu.memref_squeeze %dma_wait3A_665 : memref<1x50x128xf32, #tpu.memory_space<hbm>> -> memref<50x128xf32, #tpu.memory_space<hbm>>
      %dma_wait3A_667 = tpu.memref_slice %arg8[%dma_wait3A_658] : memref<8x!tpu.dma_semaphore, #tpu.memory_space<semaphore_mem>> -> memref<1x!tpu.dma_semaphore, #tpu.memory_space<semaphore_mem>>
      %dma_wait3A_668 = tpu.memref_squeeze %dma_wait3A_667 : memref<1x!tpu.dma_semaphore, #tpu.memory_space<semaphore_mem>> -> memref<!tpu.dma_semaphore, #tpu.memory_space<semaphore_mem>>
      %dma_wait3A_669 = arith.constant 0 : i32
      %dma_wait3A_670 = arith.constant 0 : i32
      %dma_wait3A_671 = tpu.memref_slice %arg4[%dma_wait3A_657, %dma_wait3A_669, %dma_wait3A_670] : memref<4096x50x128xf32, #tpu.memory_space<hbm>> -> memref<1x50x128xf32, #tpu.memory_space<hbm>>
      %dma_wait3A_672 = tpu.memref_squeeze %dma_wait3A_671 : memref<1x50x128xf32, #tpu.memory_space<hbm>> -> memref<50x128xf32, #tpu.memory_space<hbm>>
      %dma_wait3A_673 = arith.constant 0 : i32
      %dma_wait3A_674 = arith.constant 0 : i32
      %dma_wait3A_675 = tpu.memref_slice %arg6[%dma_wait3A_656, %dma_wait3A_673, %dma_wait3A_674] : memref<8x56x128xf32, #tpu.memory_space<vmem>> -> memref<1x50x128xf32, #tpu.memory_space<vmem>>
      %dma_wait3A_676 = tpu.memref_squeeze %dma_wait3A_675 : memref<1x50x128xf32, #tpu.memory_space<vmem>> -> memref<50x128xf32, #tpu.memory_space<vmem>>
      tpu.wait_dma2 semaphore(%dma_wait3A_668 : memref<!tpu.dma_semaphore, #tpu.memory_space<semaphore_mem>>) src(%dma_wait3A_676 : memref<50x128xf32, #tpu.memory_space<vmem>>) dst(%dma_wait3A_672 : memref<50x128xf32, #tpu.memory_space<hbm>>)
      %add3A_677 = arith.constant 1 : i32
      %add3A_678 = arith.addi %scan3A_127, %add3A_677 : i32
      %lt3A_679 = arith.constant 16 : i32
      %lt3A_680 = arith.cmpi slt, %add3A_678, %lt3A_679 : i32
      %convert_element_type3A_681 = arith.extui %lt3A_680 : i1 to i32
      %cond3A_682 = arith.constant 0 : i32
      %cond3A_683 = arith.cmpi ne, %convert_element_type3A_681, %cond3A_682 : i32
      scf.if %cond3A_683 {
        %add3A_684 = arith.constant 1 : i32
        %add3A_685 = arith.addi %scan3A_127, %add3A_684 : i32
        %mul3A_686 = arith.constant 8 : i32
        %mul3A_687 = arith.muli %add3A_685, %mul3A_686 : i32
        %add3A_688 = arith.constant 7 : i32
        %add3A_689 = arith.addi %mul3A_687, %add3A_688 : i32
        %dma_start3A_690 = arith.constant 7 : i32
        %dma_start3A_691 = arith.constant 7 : i32
        %dma_start3A_692 = arith.constant 0 : i32
        %dma_start3A_693 = arith.constant 0 : i32
        %dma_start3A_694 = tpu.memref_slice %arg6[%dma_start3A_690, %dma_start3A_692, %dma_start3A_693] : memref<8x56x128xf32, #tpu.memory_space<vmem>> -> memref<1x50x128xf32, #tpu.memory_space<vmem>>
        %dma_start3A_695 = tpu.memref_squeeze %dma_start3A_694 : memref<1x50x128xf32, #tpu.memory_space<vmem>> -> memref<50x128xf32, #tpu.memory_space<vmem>>
        %dma_start3A_696 = arith.constant 0 : i32
        %dma_start3A_697 = tpu.memref_slice %arg5[%add3A_689, %dma_start3A_696] : memref<128x50xi32, #tpu.memory_space<vmem>> -> memref<1x50xi32, #tpu.memory_space<vmem>>
        %dma_start3A_698 = tpu.memref_squeeze %dma_start3A_697 : memref<1x50xi32, #tpu.memory_space<vmem>> -> memref<50xi32, #tpu.memory_space<vmem>>
        %dma_start3A_699 = arith.constant 0 : i32
        %dma_start3A_700 = arith.constant 0 : i32
        %dma_start3A_701 = tpu.memref_slice %arg3[%dma_start3A_699, %dma_start3A_700] : memref<100000x128xf32, #tpu.memory_space<hbm>> -> memref<100000x128xf32, #tpu.memory_space<hbm>>
        %dma_start3A_702 = tpu.memref_slice %arg7[%dma_start3A_691] : memref<8x!tpu.dma_semaphore, #tpu.memory_space<semaphore_mem>> -> memref<1x!tpu.dma_semaphore, #tpu.memory_space<semaphore_mem>>
        %dma_start3A_703 = tpu.memref_squeeze %dma_start3A_702 : memref<1x!tpu.dma_semaphore, #tpu.memory_space<semaphore_mem>> -> memref<!tpu.dma_semaphore, #tpu.memory_space<semaphore_mem>>
        tpu.enqueue_indirect_dma source(%dma_start3A_701 : memref<100000x128xf32, #tpu.memory_space<hbm>>) target(%dma_start3A_695 : memref<50x128xf32, #tpu.memory_space<vmem>>) offsets(%dma_start3A_698 : memref<50xi32, #tpu.memory_space<vmem>>) semaphore(%dma_start3A_703 : memref<!tpu.dma_semaphore, #tpu.memory_space<semaphore_mem>>)
      } else {
      }
    }
    %scan3A_126 = arith.constant 16 : i32
    return
  }
}

</mosaic_0001>

<sc_bundles>
// kernel: _run.3.cloned.1.call-start
scs
__scs_entry_jumppad:
0x0: {  	(pc) =	sbr.rel $0x88, $3  }
0x1: {  	(tag) =	ssettag $0x0;
	lr =	simm.s32 $0x1  }
0x2: {  	[smem:$0x3F9F] =	sst lr;
	_ =	strace $0xD0000000  }
0x3: {  	_ = 	snop  }
0x4: {  	_ = 	snop  }
0x5: {  	_ = 	snop  }
0x6: {  	_ = 	snop  }
0x7: {  	_ = 	snop  }
__scs_overlays_trampoline_lowered:
0x8: {  	[smem:$0x3FAE] =	sst s0  }
0x9: {  	[smem:$0x3FAF] =	sst s1  }
0xa: {  	[smem:$0x3FB0] =	sst s2  }
0xb: {  	[smem:$0x3FB1] =	sst s3  }
0xc: {  	[smem:$0x3FB2] =	sst s4  }
0xd: {  	[smem:$0x3FB3] =	sst s5  }
0xe: {  	[smem:$0x3FB4] =	sst s6  }
0xf: {  	[smem:$0x3FB5] =	sst s7  }
0x10: {  	[smem:$0x3FB6] =	sst s8  }
0x11: {  	[smem:$0x3FB7] =	sst s9;
	s0 =	simm.s32 @!p0 $0x0  }
0x12: {  	s1 =	sld [smem:$0x3F9D];
	s0 =	simm.s32 @p0 $0x1  }
0x13: {  	[smem:$0x3FB8] =	sst s0;
	s0 =	simm.s32 @!p1 $0x0  }
0x14: {  	s2 =	sld [smem:$0x3F9C];
	s0 =	simm.s32 @p1 $0x1  }
0x15: {  	[smem:$0x3FB9] =	sst s0;
	s0 =	simm.s32 @!p2 $0x0  }
0x16: {  	s3 =	sld [smem:$0x3FDB];
	s0 =	simm.s32 @p2 $0x1  }
0x17: {  	s4 =	simm.s32 $0x1BF5;
	[smem:$0x3FBB] =	sst s0  }
0x18: {  	s0 =	sld [smem:$0x3F9E];
	_ =	swait.ge [sflag:s4], $0x0  }
0x19: {  	s7 =	sld [smem:$0x3F9F]  }
0x1a: {  	s8 =	sadd.s32 $0xFFFFE003, lr  }
0x1b: {  	s9 =	sadd.s32 $0xFFFFFEF7, lr;
	s5 =	simm.s32 $0xFFFFFFFF;
	p2 =	slt.u32 s8, $0xFFFFF086  }
0x1c: {  	p1 =	slt.u32 s9, $0xF7A;
	s5 =	simm.s32 @!p2 $0x0  }
0x1d: {  	s5 =	simm.s32 @p1 $0x1;
	p0 =	seq.s32 s7, s2  }
0x1e: {  	s7 =	smul.u32 @!p0 $0xF7A, s2;
	p2 =	seq.s32 @!p0 s5, $0x0  }
0x1f: {  	s9 =	smul.u32 $0xF7A, s1;
	s8 =	simm.s32 @!p0 $0x1BF5;
	p2 =	por !p2, p0  }
0x20: {  	[sflag:s8] =	ssyncset.s32 @!p0 $0xFFFFF086;
	s6 =	sadd.s32 @!p0 s3, s7;
	s7 =	simm.s32 @!p0 $0x108  }
0x21: {  	s3 =	sadd.s32 s3, s9;
	s6 =	sadd.s32 @!p0 $0x88, s6;
	s7 =	simm.s32 @p2 $0x1082  }
0x22: {  	[simem:s7], [sflag:s8] =	dma.local @!p0 [hbm:s6], $0xF7A  }
0x23: {  	s9 =	sor.u32 $0xD0000000, s2;
	s6 =	simm.s32 $0x108;
	_ =	swait.ge @!p0 [sflag:s8], $0x0  }
0x24: {  	s3 =	sadd.s32 $0x88, s3;
	s6 =	simm.s32 @!p1 $0x1082;
	[sflag:s4] =	ssyncset.s32 $0xFFFFF086  }
0x25: {  	[simem:s6], [sflag:s4] =	dma.local [hbm:s3], $0xF7A  }
0x26: {  	[smem:$0x3F9F] =	sst s1;
	(tag) =	ssettag s2;
	_ =	strace s9  }
0x27: {  	s1 =	sld [smem:$0x3FAF]  }
0x28: {  	s2 =	sld [smem:$0x3FB0]  }
0x29: {  	s4 =	sld [smem:$0x3FB2]  }
0x2a: {  	p0 =	seq.s32 s5, $0x0;
	s5 =	sld [smem:$0x3FB3]  }
0x2b: {  	s6 =	sld [smem:$0x3FB4]  }
0x2c: {  	s7 =	sld [smem:$0x3FB5]  }
0x2d: {  	s3 =	simm.s32 $0x108;
	s8 =	sld [smem:$0x3FB6]  }
0x2e: {  	s3 =	simm.s32 @!p0 $0x1082;
	s9 =	sld [smem:$0x3FB7]  }
0x2f: {  	lr =	sadd.s32 s0, s3;
	s0 =	sld [smem:$0x3FAE]  }
0x30: {  	s3 =	sld [smem:$0x3FB1]  }
0x31: {  	[smem:$0x3FBA] =	sst s10  }
0x32: {  	s10 =	sld [smem:$0x3FB8];
	_ =	sdelay $0x3  }
0x33: {  	p0 =	seq.s32 s10, $0x1;
	s10 =	sld [smem:$0x3FBA];
	_ =	sdelay $0x3  }
0x34: {  	[smem:$0x3FBA] =	sst s10  }
0x35: {  	s10 =	sld [smem:$0x3FB9];
	_ =	sdelay $0x3  }
0x36: {  	p1 =	seq.s32 s10, $0x1;
	s10 =	sld [smem:$0x3FBA];
	_ =	sdelay $0x3  }
0x37: {  	[smem:$0x3FBA] =	sst s10  }
0x38: {  	s10 =	sld [smem:$0x3FBB]  }
0x39: {  	_ = 	snop;
	(pc) =	sbr.ind lr, $3  }
0x3a: {  	_ = 	snop  }
0x3b: {  	_ = 	snop  }
0x3c: {  	p2 =	seq.s32 s10, $0x1;
	s10 =	sld [smem:$0x3FBA]  }
0x3d: {  	_ =	shalt  }
0x3e: {  	_ =	shalt  }
0x3f: {  	_ =	shalt  }
0x40: {  	_ =	shalt  }
0x41: {  	_ =	shalt  }
0x42: {  	_ =	shalt  }
0x43: {  	_ =	shalt  }
0x44: {  	_ =	shalt  }
0x45: {  	_ =	shalt  }
0x46: {  	_ =	shalt  }
0x47: {  	_ =	shalt  }
0x48: {  	_ =	shalt  }
0x49: {  	_ =	shalt  }
0x4a: {  	_ =	shalt  }
0x4b: {  	_ =	shalt  }
0x4c: {  	_ =	shalt  }
0x4d: {  	_ =	shalt  }
0x4e: {  	_ =	shalt  }
0x4f: {  	_ =	shalt  }
0x50: {  	_ =	shalt  }
0x51: {  	_ =	shalt  }
0x52: {  	_ =	shalt  }
0x53: {  	_ =	shalt  }
0x54: {  	_ =	shalt  }
0x55: {  	_ =	shalt  }
0x56: {  	_ =	shalt  }
0x57: {  	_ =	shalt  }
0x58: {  	_ =	shalt  }
0x59: {  	_ =	shalt  }
0x5a: {  	_ =	shalt  }
0x5b: {  	_ =	shalt  }
0x5c: {  	_ =	shalt  }
0x5d: {  	_ =	shalt  }
0x5e: {  	_ =	shalt  }
0x5f: {  	_ =	shalt  }
0x60: {  	_ =	shalt  }
0x61: {  	_ =	shalt  }
0x62: {  	_ =	shalt  }
0x63: {  	_ =	shalt  }
0x64: {  	_ =	shalt  }
0x65: {  	_ =	shalt  }
0x66: {  	_ =	shalt  }
0x67: {  	_ =	shalt  }
0x68: {  	_ =	shalt  }
0x69: {  	_ =	shalt  }
0x6a: {  	_ =	shalt  }
0x6b: {  	_ =	shalt  }
0x6c: {  	_ =	shalt  }
0x6d: {  	_ =	shalt  }
0x6e: {  	_ =	shalt  }
0x6f: {  	_ =	shalt  }
0x70: {  	_ =	shalt  }
0x71: {  	_ =	shalt  }
0x72: {  	_ =	shalt  }
0x73: {  	_ =	shalt  }
0x74: {  	_ =	shalt  }
0x75: {  	_ =	shalt  }
0x76: {  	_ =	shalt  }
0x77: {  	_ =	shalt  }
0x78: {  	_ =	shalt  }
0x79: {  	_ =	shalt  }
0x7a: {  	_ =	shalt  }
0x7b: {  	_ =	shalt  }
0x7c: {  	_ =	shalt  }
0x7d: {  	_ =	shalt  }
0x7e: {  	_ =	shalt  }
0x7f: {  	_ =	shalt  }
0x80: {  	_ =	shalt  }
0x81: {  	_ =	shalt  }
0x82: {  	_ =	shalt  }
0x83: {  	_ =	shalt  }
0x84: {  	_ =	shalt  }
0x85: {  	_ =	shalt  }
0x86: {  	_ =	shalt  }
0x87: {  	_ =	shalt  }
.Lfunc_end0:
.L_simem_size_0:
called_computation_lowered:
.L_overlay_start_0:
0x88: {  	s2 =	sld [smem:$0x3FD9]  }
0x89: {  	s3 =	sld [smem:$0x3FFE];
	_ =	sdelay $0x1  }
0x8a: {  	s1 =	srdreg.scid  }
0x8b: {  	s0 =	sand.u32 $0x1, s1  }
0x8c: {  	s17 =	sshll.u32 s0, $0xA;
	s2 =	sadd.s32 s3, s2  }
0x8d: {  	s2 =	sadd.s32 s2, s17  }
0x8e: {  	[smem:$0x3FC6] =	sst s2  }
0x8f: {  	_ = 	snop  }
0x90: {  	s2 =	sld [smem:$0x3FC8]  }
0x91: {  	s18 =	sld [smem:$0x3FD0];
	(tm) =	ssettm $0x1  }
0x92: {  	s4 =	sld [smem:$0x3FFB];
	_ =	sdelay $0x3  }
0x93: {  	_ =	strace s4  }
0x94: {  	s4 =	sld [smem:$0x3FFC];
	_ =	sdelay $0x3  }
0x95: {  	_ =	strace s4  }
0x96: {  	s4 =	sld [smem:$0x3FFD];
	_ =	sdelay $0x3  }
0x97: {  	_ =	strace s4  }
0x98: {  	_ =	strace $0x8FFFFFFF  }
0x99: {  	s19 =	sld [smem:$0x3FDB];
	_ =	sdelay $0x1  }
0x9a: {  	s5 =	simm.s32 $_scs_section_size  }
0x9b: {  	s6 =	simm.s32 $_size__tile_overlayer_lowered;
	s7 =	simm.s32 $_tile_overlayer_lowered  }
0x9c: {  	s22 =	simm.s32 $0x1BFF;
	s21 =	sshll.u32 s7, $0x1;
	s4 =	sadd.s32 s5, s19  }
0x9d: {  	s8 =	simm.s32 $0x0;
	s20 =	sshll.u32 s6, $0x1;
	s6 =	sadd.s32 s21, s4  }
0x9e: {  	[timem:s8], [sflag:s22] =	dma.local [hbm:s6], s20  }
0x9f: {  	_ =	swait.ge [sflag:s22], s20  }
0xa0: {  	s5 =	ssub.s32 $0x0, s20;
	[sflag:s22] =	ssyncset.done $0x0  }
0xa1: {  	[sflag:s22] =	ssyncadd.s32 s5;
	_ =	sdelay $0x1  }
0xa2: {  	s23 =	simm.s32 $0x1B8B  }
0xa3: {  	_ =	swait.ge [sflag:s23], $0x1  }
0xa4: {  	[sflag:s23] =	ssyncset.done $0x0  }
0xa5: {  	s25 =	simm.s32 $0x1B8E;
	s24 =	sld [smem:$0x3FFE];
	[sflag:s23] =	ssyncadd.s32 $0xFFFFFFFF  }
0xa6: {  	s26 =	simm.s32 $execute0_lowered;
	[smem:$0x3FD2] =	sst s25  }
0xa7: {  	s6 =	sshll.u32 s26, $0x1;
	_ =	strace $0x80000046;
	[dreg:$0x1] =	wrdreg $0xFFFFFFFF  }
0xa8: {  	s28 =	simm.s32 $_size_execute0_lowered;
	s4 =	sadd.s32 s4, s6;
	[dreg:$0x0] =	wrdreg $0x0  }
0xa9: {  	s6 =	sshll.u32 s28, $0x1;
	[dreg:$0x2] =	wrdreg s4  }
0xaa: {  	[dreg:$0x3] =	wrdreg s6  }
0xab: {  	[dreg:$0x4] =	wrdreg $0xC0  }
0xac: {  	_ =	task [dreg:s8], $0x5FFFF  }
0xad: {  	[dreg:$0x1] =	wrdreg $0xFFFFFFFF  }
0xae: {  	[dreg:$0x0] =	wrdreg $0x60  }
0xaf: {  	[dreg:$0x2] =	wrdreg s18  }
0xb0: {  	[dreg:$0x3] =	wrdreg s2  }
0xb1: {  	[dreg:$0x4] =	wrdreg s24  }
0xb2: {  	[dreg:$0x5] =	wrdreg $0x9  }
0xb3: {  	_ =	task.clear_ibuf [dreg:s8], $0x6FFFF;
	_ =	strace $0x90000046  }
0xb4: {  	s29 =	simm.s32 $0x9;
	_ =	strace $0x80000048  }
0xb5: {  	_ =	swait.ge [sflag:s29], $0x1  }
0xb6: {  	[sflag:s29] =	ssyncadd.s32 $0xFFFFFFFF  }
0xb7: {  	_ =	strace $0x90000048  }
0xb8: {  	_ =	sfence  }
0xb9: {  	s30 =	sld [smem:$0x0];
	_ =	sdelay $0x2  }
0xba: {  	s31 =	sshll.u32 s1, $0xD;
	s1 =	sshrl.u32 s1, $0x2  }
0xbb: {  	s3 =	sand.u32 $0x4000, s31;
	s1 =	sadd.s32 s1, s30  }
0xbc: {  	s0 =	sor.u32 s3, s0;
	s1 =	sshll.u32 s1, $0x11  }
0xbd: {  	s0 =	sor.u32 s1, s0  }
0xbe: {  	s0 =	sadd.s32 $0x8F2B, s0  }
0xbf: {  	[sflag:s0] =	ssyncadd.remote.s32 $0x1  }
0xc0: {  	_ =	sfence.sel $0xFFFF  }
0xc1: {  	[dreg:$0x0] =	wrdreg $0xFFFFFFFF;
	(pc) =	sbr.abs _section_cstart, $3  }
0xc2: {  	[dreg:$0x1] =	wrdreg $0xFFFFFFFF  }
0xc3: {  	_ =	task.clear_ibuf [dreg:s8], $0x2FFFF;
	_ =	strace $0x9FFFFFFF  }
0xc4: {  	(tm) =	ssettm $0x7FFFFFFF  }
0xc5: {  	_ =	shalt  }
tec
execute0_lowered:
.L_overlay_start_1:
0x0: {  	(tag) =	ssettag $0x1  }
0x1: {  	s0 =	rddreg [dreg:$0x0]  }
0x2: {  	s1 =	rddreg [dreg:$0x1]  }
0x3: {  	s2 =	rddreg [dreg:$0x2];
	s3 =	simm.s32 $0x0  }
0x4: {  	s4 =	srdreg.scid;
	s7 =	stileid.u32;
	s9 =	simm.s32 $0x4000  }
0x5: {  	s11 =	simm.s32 $0x5C00;
	s13 =	simm.s32 $0x7800;
	s15 =	simm.s32 $0x9400  }
0x6: {  	s17 =	simm.s32 $0xB000;
	s19 =	simm.s32 $0xCC00;
	s21 =	simm.s32 $0xE800  }
0x7: {  	s23 =	simm.s32 $0x10400;
	s28 =	simm.s32 $0x4;
	s29 =	simm.s32 $0x5  }
0x8: {  	s30 =	simm.s32 $0x6;
	s31 =	simm.s32 $0x7;
	s10 =	simm.s32 $0xA  }
0x9: {  	s12 =	simm.s32 $0xB;
	s14 =	simm.s32 $0xC;
	s16 =	simm.s32 $0xD  }
0xa: {  	s18 =	simm.s32 $0xE;
	s20 =	simm.s32 $0xF;
	s22 =	simm.s32 $0x10  }
0xb: {  	[smem:$0x7FF] =	sst s3;
	s4 =	sand.u32 $0x1, s4;
	s5 =	smul.u32 $0x38000, s7  }
0xc: {  	s7 =	sshll.u32 s7, $0xC;
	_ =	strace $0x80000047;
	s6 =	ssub.s32 $0x2, s4  }
0xd: {  	s8 =	sshll.u32 s4, $0xB;
	s4 =	smul.u32 $0x1C000, s4;
	s2 =	sadd.s32 s5, s2  }
0xe: {  	s24 =	sshrl.u32 s6, $0x1;
	s7 =	sor.u32 s8, s7;
	s8 =	simm.s32 $0x32  }
.Ltmp0:
0xf: {  	s5 =	ssub.s32 s6, s24;
	s0 =	sadd.s32 s0, s7;
	(pc) =	sbr.rel .LBB2_1-.Ltmp0, $4  }
0x10: {  	s25 =	sadd.s32 s4, s2;
	s24 =	simm.s32 $0x1;
	s2 =	simm.s32 $0x9  }
0x11: {  	[dreg:$0x4] =	wrdreg s0;
	s26 =	smax.u32 s5, $0x1;
	s0 =	sadd.s32 $0x400, s25  }
0x12: {  	s25 =	simm.s32 $0x2;
	s5 =	simm.s32 $0x0;
	[dreg:$0x5] =	wrdreg s26  }
0x13: {  	[dreg:$0x6] =	wrdreg s0;
	s26 =	simm.s32 $0x3;
	s0 =	simm.s32 $0x8  }
.LBB2_3:
0x14: {  	_ =	swait.ge [sflag:s10], $0x1900  }
0x15: {  	[sflag:s10] =	ssyncset.done $0x0  }
0x16: {  	[sflag:s10] =	ssyncadd.s32 $0xFFFFE700  }
0x17: {  	_ =	swait.ge [sflag:s12], $0x1900  }
0x18: {  	[sflag:s12] =	ssyncset.done $0x0  }
0x19: {  	[sflag:s12] =	ssyncadd.s32 $0xFFFFE700  }
0x1a: {  	_ =	swait.ge [sflag:s14], $0x1900  }
0x1b: {  	[sflag:s14] =	ssyncset.done $0x0  }
0x1c: {  	[sflag:s14] =	ssyncadd.s32 $0xFFFFE700  }
0x1d: {  	_ =	swait.ge [sflag:s16], $0x1900  }
0x1e: {  	[sflag:s16] =	ssyncset.done $0x0  }
0x1f: {  	[sflag:s16] =	ssyncadd.s32 $0xFFFFE700  }
0x20: {  	_ =	swait.ge [sflag:s18], $0x1900  }
0x21: {  	[sflag:s18] =	ssyncset.done $0x0  }
0x22: {  	[sflag:s18] =	ssyncadd.s32 $0xFFFFE700  }
0x23: {  	_ =	swait.ge [sflag:s20], $0x1900  }
0x24: {  	[sflag:s20] =	ssyncset.done $0x0  }
0x25: {  	[sflag:s20] =	ssyncadd.s32 $0xFFFFE700  }
0x26: {  	_ =	swait.ge [sflag:s22], $0x1900  }
0x27: {  	[sflag:s22] =	ssyncset.done $0x0  }
0x28: {  	[sflag:s22] =	ssyncadd.s32 $0xFFFFE700  }
.LBB2_5:
0x29: {  	s5 =	rddreg [dreg:$0x7]  }
0x2a: {  	s4 =	rddreg [dreg:$0x5];
	s5 =	sadd.s32 $0x1, s5  }
0x2b: {  	p0 =	sne.s32 s5, s4  }
.Ltmp1:
0x2c: {  	_ = 	snop;
	(pc) =	sbr.rel @!p0 .LBB2_6-.Ltmp1, $1  }
0x2d: {  	_ =	sdelay $0x3  }
.LBB2_1:
0x2e: {  	[dreg:$0x7] =	wrdreg s5  }
0x2f: {  	s4 =	rddreg [dreg:$0x4];
	s6 =	simm.s32 $0x11  }
0x30: {  	[tilespmem:s3], [sflag:$0x11] =	stream.linear.gather [hbm4b:s4+s3], $0x4000, $0x38;
	[tilespmem:$0x12000] =	vst v63  }
0x31: {  	_ =	swait.ge [sflag:s6], $0x4000  }
0x32: {  	[sflag:s6] =	ssyncset.done $0x0  }
0x33: {  	[sflag:s6] =	ssyncadd.s32 $0xFFFFC000  }
0x34: {  	[tilespmem:s9], [sflag:$0x1] =	stream.indirect.gather [hbm4b:s1+s8], $0x80, s3, s8, $0xb8;
	[tilespmem:$0x12000] =	vst v63  }
0x35: {  	s7 =	simm.s32 $0x80  }
0x36: {  	[tilespmem:s11], [sflag:$0x2] =	stream.indirect.gather [hbm4b:s1+s8], $0x80, s7, s8, $0xb8;
	[tilespmem:$0x12000] =	vst v63  }
0x37: {  	s5 =	simm.s32 $0x100  }
0x38: {  	[tilespmem:s13], [sflag:$0x3] =	stream.indirect.gather [hbm4b:s1+s8], $0x80, s5, s8, $0xb8;
	[tilespmem:$0x12000] =	vst v63  }
0x39: {  	s6 =	simm.s32 $0x180  }
0x3a: {  	[tilespmem:s15], [sflag:$0x4] =	stream.indirect.gather [hbm4b:s1+s8], $0x80, s6, s8, $0xb8;
	[tilespmem:$0x12000] =	vst v63  }
0x3b: {  	s7 =	simm.s32 $0x200  }
0x3c: {  	[tilespmem:s17], [sflag:$0x5] =	stream.indirect.gather [hbm4b:s1+s8], $0x80, s7, s8, $0xb8;
	[tilespmem:$0x12000] =	vst v63  }
0x3d: {  	s5 =	simm.s32 $0x280  }
0x3e: {  	[tilespmem:s19], [sflag:$0x6] =	stream.indirect.gather [hbm4b:s1+s8], $0x80, s5, s8, $0xb8;
	[tilespmem:$0x12000] =	vst v63  }
0x3f: {  	s6 =	simm.s32 $0x300  }
0x40: {  	[tilespmem:s21], [sflag:$0x7] =	stream.indirect.gather [hbm4b:s1+s8], $0x80, s6, s8, $0xb8;
	[tilespmem:$0x12000] =	vst v63  }
0x41: {  	s7 =	simm.s32 $0x380;
	s5 =	simm.s32 $0x0;
	s6 =	rddreg [dreg:$0x6]  }
0x42: {  	[tilespmem:s23], [sflag:$0x8] =	stream.indirect.gather [hbm4b:s1+s8], $0x80, s7, s8, $0xb8;
	[tilespmem:$0x12000] =	vst v63  }
.LBB2_2:
0x43: {  	_ =	swait.ge [sflag:s24], $0x1900  }
0x44: {  	[sflag:s24] =	ssyncset.done $0x0  }
0x45: {  	[sflag:s24] =	ssyncadd.s32 $0xFFFFE700  }
0x46: {  	[hbm4b:s6+s3] =	stream.linear.scatter [tilespmem:s9], [sflag:$0x9], $0x1900, $0x38;
	[tilespmem:$0x12000] =	vst v63  }
0x47: {  	_ =	swait.ge [sflag:s25], $0x1900  }
0x48: {  	[sflag:s25] =	ssyncset.done $0x0  }
0x49: {  	s7 =	sadd.s32 $0x380, s6;
	[sflag:s25] =	ssyncadd.s32 $0xFFFFE700  }
0x4a: {  	[hbm4b:s7+s3] =	stream.linear.scatter [tilespmem:s11], [sflag:$0xA], $0x1900, $0x38;
	[tilespmem:$0x12000] =	vst v63  }
0x4b: {  	_ =	swait.ge [sflag:s26], $0x1900  }
0x4c: {  	[sflag:s26] =	ssyncset.done $0x0  }
0x4d: {  	s4 =	sadd.s32 $0x700, s6;
	[sflag:s26] =	ssyncadd.s32 $0xFFFFE700  }
0x4e: {  	[hbm4b:s4+s3] =	stream.linear.scatter [tilespmem:s13], [sflag:$0xB], $0x1900, $0x38;
	[tilespmem:$0x12000] =	vst v63  }
0x4f: {  	_ =	swait.ge [sflag:s28], $0x1900  }
0x50: {  	[sflag:s28] =	ssyncset.done $0x0  }
0x51: {  	s4 =	sadd.s32 $0xA80, s6;
	[sflag:s28] =	ssyncadd.s32 $0xFFFFE700  }
0x52: {  	[hbm4b:s4+s3] =	stream.linear.scatter [tilespmem:s15], [sflag:$0xC], $0x1900, $0x38;
	[tilespmem:$0x12000] =	vst v63  }
0x53: {  	_ =	swait.ge [sflag:s29], $0x1900  }
0x54: {  	[sflag:s29] =	ssyncset.done $0x0  }
0x55: {  	s4 =	sadd.s32 $0xE00, s6;
	[sflag:s29] =	ssyncadd.s32 $0xFFFFE700  }
0x56: {  	[hbm4b:s4+s3] =	stream.linear.scatter [tilespmem:s17], [sflag:$0xD], $0x1900, $0x38;
	[tilespmem:$0x12000] =	vst v63  }
0x57: {  	_ =	swait.ge [sflag:s30], $0x1900  }
0x58: {  	[sflag:s30] =	ssyncset.done $0x0  }
0x59: {  	s4 =	sadd.s32 $0x1180, s6;
	[sflag:s30] =	ssyncadd.s32 $0xFFFFE700  }
0x5a: {  	[hbm4b:s4+s3] =	stream.linear.scatter [tilespmem:s19], [sflag:$0xE], $0x1900, $0x38;
	[tilespmem:$0x12000] =	vst v63  }
0x5b: {  	_ =	swait.ge [sflag:s31], $0x1900  }
0x5c: {  	[sflag:s31] =	ssyncset.done $0x0  }
0x5d: {  	s4 =	sadd.s32 $0x1500, s6;
	[sflag:s31] =	ssyncadd.s32 $0xFFFFE700  }
0x5e: {  	[hbm4b:s4+s3] =	stream.linear.scatter [tilespmem:s21], [sflag:$0xF], $0x1900, $0x38;
	[tilespmem:$0x12000] =	vst v63  }
0x5f: {  	_ =	swait.ge [sflag:s0], $0x1900  }
0x60: {  	p0 =	sne.s32 s5, $0xF000;
	[sflag:s0] =	ssyncset.done $0x0  }
.Ltmp2:
0x61: {  	s4 =	sadd.s32 $0x1880, s6;
	[sflag:s0] =	ssyncadd.s32 $0xFFFFE700;
	(pc) =	sbr.rel @!p0 .LBB2_3-.Ltmp2, $4  }
0x62: {  	[hbm4b:s4+s3] =	stream.linear.scatter [tilespmem:s23], [sflag:$0x10], $0x1900, $0x38;
	[tilespmem:$0x12000] =	vst v63  }
0x63: {  	_ =	swait.ge [sflag:s2], $0x1900  }
0x64: {  	[sflag:s2] =	ssyncset.done $0x0  }
0x65: {  	[sflag:s2] =	ssyncadd.s32 $0xFFFFE700  }
0x66: {  	s7 =	sshra.s32 s5, $0x2  }
0x67: {  	s4 =	sadd.s32 $0x400, s7  }
0x68: {  	[tilespmem:s9], [sflag:$0x1] =	stream.indirect.gather [hbm4b:s1+s8], $0x80, s4, s8, $0xb8;
	[tilespmem:$0x12000] =	vst v63  }
0x69: {  	_ =	swait.ge [sflag:s10], $0x1900  }
0x6a: {  	[sflag:s10] =	ssyncset.done $0x0  }
0x6b: {  	s4 =	sadd.s32 $0x480, s7;
	[sflag:s10] =	ssyncadd.s32 $0xFFFFE700  }
0x6c: {  	[tilespmem:s11], [sflag:$0x2] =	stream.indirect.gather [hbm4b:s1+s8], $0x80, s4, s8, $0xb8;
	[tilespmem:$0x12000] =	vst v63  }
0x6d: {  	_ =	swait.ge [sflag:s12], $0x1900  }
0x6e: {  	[sflag:s12] =	ssyncset.done $0x0  }
0x6f: {  	s4 =	sadd.s32 $0x500, s7;
	[sflag:s12] =	ssyncadd.s32 $0xFFFFE700  }
0x70: {  	[tilespmem:s13], [sflag:$0x3] =	stream.indirect.gather [hbm4b:s1+s8], $0x80, s4, s8, $0xb8;
	[tilespmem:$0x12000] =	vst v63  }
0x71: {  	_ =	swait.ge [sflag:s14], $0x1900  }
0x72: {  	[sflag:s14] =	ssyncset.done $0x0  }
0x73: {  	s4 =	sadd.s32 $0x580, s7;
	[sflag:s14] =	ssyncadd.s32 $0xFFFFE700  }
0x74: {  	[tilespmem:s15], [sflag:$0x4] =	stream.indirect.gather [hbm4b:s1+s8], $0x80, s4, s8, $0xb8;
	[tilespmem:$0x12000] =	vst v63  }
0x75: {  	_ =	swait.ge [sflag:s16], $0x1900  }
0x76: {  	[sflag:s16] =	ssyncset.done $0x0  }
0x77: {  	s4 =	sadd.s32 $0x600, s7;
	[sflag:s16] =	ssyncadd.s32 $0xFFFFE700  }
0x78: {  	[tilespmem:s17], [sflag:$0x5] =	stream.indirect.gather [hbm4b:s1+s8], $0x80, s4, s8, $0xb8;
	[tilespmem:$0x12000] =	vst v63  }
0x79: {  	_ =	swait.ge [sflag:s18], $0x1900  }
0x7a: {  	[sflag:s18] =	ssyncset.done $0x0  }
0x7b: {  	s4 =	sadd.s32 $0x680, s7;
	[sflag:s18] =	ssyncadd.s32 $0xFFFFE700  }
0x7c: {  	[tilespmem:s19], [sflag:$0x6] =	stream.indirect.gather [hbm4b:s1+s8], $0x80, s4, s8, $0xb8;
	[tilespmem:$0x12000] =	vst v63  }
0x7d: {  	_ =	swait.ge [sflag:s20], $0x1900  }
0x7e: {  	s5 =	sadd.s32 $0x1000, s5;
	[sflag:s20] =	ssyncset.done $0x0  }
0x7f: {  	p0 =	sne.s32 s5, $0x10000;
	s4 =	sadd.s32 $0x700, s7;
	[sflag:s20] =	ssyncadd.s32 $0xFFFFE700  }
0x80: {  	[tilespmem:s21], [sflag:$0x7] =	stream.indirect.gather [hbm4b:s1+s8], $0x80, s4, s8, $0xb8;
	[tilespmem:$0x12000] =	vst v63  }
.Ltmp3:
0x81: {  	_ = 	snop;
	(pc) =	sbr.rel @p0 .LBB2_2-.Ltmp3, $4  }
.Ltmp4:
0x82: {  	_ =	swait.ge [sflag:s22], $0x1900;
	(pc) =	sbr.rel @!p0 .LBB2_5-.Ltmp4, $4  }
0x83: {  	[sflag:s22] =	ssyncset.done $0x0  }
0x84: {  	s6 =	sadd.s32 $0x1C00, s6;
	s7 =	sadd.s32 $0x780, s7;
	[sflag:s22] =	ssyncadd.s32 $0xFFFFE700  }
0x85: {  	[tilespmem:s23], [sflag:$0x8] =	stream.indirect.gather [hbm4b:s1+s8], $0x80, s7, s8, $0xb8;
	[tilespmem:$0x12000] =	vst v63  }
0x86: {  	_ = 	snop  }
.LBB2_6:
0x87: {  	_ =	sfence.sel $0x180000  }
0x88: {  	[bflag:$0x0] =	sbarrier.arrive $0xFFFF  }
0x89: {  	_ =	strace $0x90000047  }
0x8a: {  	s0 =	stileid.u32;
	[bflag:$0x2] =	sbarrier.arrive $0xFFFF  }
0x8b: {  	p0 =	sne.s32 s0, $0x0;
	s0 =	rddreg [dreg:$0x3]  }
0x8c: {  	s0 =	sadd.s32 @!p0 $0x100000, s0  }
0x8d: {  	[sflag:s0] =	ssyncadd.tile.s32 @!p0 $0x1;
	_ =	shalt  }
.Lfunc_end2:
_tile_overlayer_lowered:
.L_overlay_start_2:
0x8e: {  	(tag) =	ssettag $0x2  }
0x8f: {  	s0 =	rddreg [dreg:$0x0];
	s2 =	stileid.u32  }
0x90: {  	s1 =	rddreg [dreg:$0x1];
	p0 =	sne.s32 s2, $0x0  }
0x91: {  	s3 =	rddreg [dreg:$0x2];
	[bflag:$0x3] =	sbarrier.arrive $0xFFFF;
	s2 =	simm.s32 @!p0 $0x1C11  }
0x92: {  	[timem:s3], [sflag:s2] =	dma.local @!p0 [hbm:s0], s1  }
0x93: {  	s0 =	simm.s32 @!p0 $0x11  }
0x94: {  	_ =	swait.ge @!p0 [sflag:s0], s1  }
0x95: {  	s1 =	ssub.s32 @!p0 $0x0, s1;
	[sflag:s0] =	ssyncset.done @!p0 $0x0  }
0x96: {  	[sflag:s0] =	ssyncadd.s32 @!p0 s1  }
0x97: {  	[bflag:$0x3] =	sbarrier.arrive $0xFFFF  }
0x98: {  	_ =	shalt  }

</sc_bundles>
